<compile_context>
chip_gen: v7x
topology: tpu7x:2x2x1
jax: 0.10.2.dev20260603
libtpu: 0.0.44.dev20260713+nightly
codegen_flags: <defaults>
</compile_context>

<pallas_src>
import jax
import jax.numpy as jnp
from jax import lax
from jax.experimental import pallas as pl
from jax.experimental.pallas import tpu as pltpu
from jax.experimental.pallas import tpu_sc as plsc

_D = 20
_L = 16
_NW = 32
_C = 2048


def _body(len_hbm, wt_hbm, out_hbm, tab_v, len_v, out_v,
          si0, si1, so0, so1):
    n = len_hbm.shape[0]
    per_w = n // _NW
    nc = per_w // _C
    npairs = nc // 2
    wid = lax.axis_index("s") * 2 + lax.axis_index("c")
    base = wid * per_w
    sin = (si0, si1)
    sout = (so0, so1)

    pltpu.sync_copy(wt_hbm, tab_v)

    for b in (0, 1):
        pltpu.async_copy(
            len_hbm.at[pl.ds(base + b * _C, _C)], len_v.at[b], sin[b])

    def pair(ci2, _):
        for b in (0, 1):
            ci = ci2 * 2 + b
            row0 = base + ci * _C

            pltpu.make_async_copy(
                len_hbm.at[pl.ds(row0, _C)], len_v.at[b], sin[b]).wait()

            @pl.when(ci2 > 0)
            def _():
                pltpu.make_async_copy(
                    out_v.at[b],
                    out_hbm.at[:, pl.ds(row0 - 2 * _C, _C)],
                    sout[b]).wait()

            @plsc.parallel_loop(0, _C // _L, step=1, unroll=2)
            def emit(gi):
                r0 = gi * _L
                l = len_v[b, pl.ds(r0, _L)]
                e = jnp.minimum(jnp.maximum(l + 4, 0), 7)
                for j in range(_D):
                    v = plsc.load_gather(tab_v, [e + j * 8])
                    out_v[b, j, pl.ds(r0, _L)] = v

            pltpu.async_copy(
                out_v.at[b], out_hbm.at[:, pl.ds(row0, _C)], sout[b])

            @pl.when(ci2 < npairs - 1)
            def _():
                pltpu.async_copy(
                    len_hbm.at[pl.ds(row0 + 2 * _C, _C)],
                    len_v.at[b], sin[b])
        return 0

    lax.fori_loop(0, npairs, pair, 0)

    for b in (0, 1):
        pltpu.make_async_copy(
            out_v.at[b],
            out_hbm.at[:, pl.ds(base + (nc - 2 + b) * _C, _C)],
            sout[b]).wait()


def kernel(lengths, W):
    n = lengths.shape[0]
    lengths = lengths.astype(jnp.int32)
    wt = W.astype(jnp.float32).T.reshape(-1)

    mesh = plsc.VectorSubcoreMesh(core_axis_name="c", subcore_axis_name="s")
    out_t = pl.kernel(
        _body,
        out_type=jax.ShapeDtypeStruct((_D, n), jnp.float32),
        mesh=mesh,
        compiler_params=pltpu.CompilerParams(needs_layout_passes=False),
        scratch_types=[
            pltpu.VMEM((_D * 8,), jnp.float32),
            pltpu.VMEM((2, _C), jnp.int32),
            pltpu.VMEM((2, _D, _C), jnp.float32),
            pltpu.SemaphoreType.DMA,
            pltpu.SemaphoreType.DMA,
            pltpu.SemaphoreType.DMA,
            pltpu.SemaphoreType.DMA,
        ],
    )(lengths, wt)
    return out_t.T

# --- scband reference (transcript-rebuilt; emitter-appended) ---
"""Pipeline reference for scband-distance-7086696038796 (READ-ONLY COPY).

The authoritative reference and input builder live on the scoring server;
editing this copy changes nothing except your own understanding.
"""

import jax, jax.numpy as jnp
import numpy as np

BINS = jnp.array([-3, -2, -1, 0, 1, 2, 3], dtype=jnp.int64)


def setup_inputs(seed: int = 0) -> dict:
    key = jax.random.key(seed)
    k1, k2 = jax.random.split(key)
    lengths = jax.random.randint(k1, (3276800,), 0, 7).astype(jnp.int64)
    # Embedding table: num_embeddings = len(bins) + 1 = 8, embedding_dim = 20
    W = jax.random.normal(k2, (8, 20), dtype=jnp.float32)
    return {"lengths": lengths, "W": W}


def reference(lengths, W):
    # stoi: for each num, count how many bins satisfy num >= bin -> bin index in [0, 7]
    idx = jnp.sum(lengths[:, None] >= BINS[None, :].astype(lengths.dtype), axis=1)
    # Embedding lookup (Dropout is identity in eval mode)
    out = jnp.take(W, idx, axis=0)
    return out

if __name__ == "__main__":
    import jax
    _d = setup_inputs()
    print(jax.jit(kernel)(*tuple(_d.values())))

</pallas_src>

<mosaic_0001>
#map = affine_map<(d0, d1) -> (0)>
#map1 = affine_map<(d0, d1) -> (0, 0)>
module attributes {stable_mosaic.version = 14 : i64} {
  func.func @_body(%arg0: i32, %arg1: i32, %arg2: memref<3276800xi32, #tpu.memory_space<hbm>>, %arg3: memref<160xf32, #tpu.memory_space<hbm>>, %arg4: memref<20x3276800xf32, #tpu.memory_space<hbm>>, %arg5: memref<160xf32, #tpu.memory_space<vmem>>, %arg6: memref<2x2048xi32, #tpu.memory_space<vmem>>, %arg7: memref<2x20x2048xf32, #tpu.memory_space<vmem>>, %arg8: memref<!tpu.dma_semaphore, #tpu.memory_space<semaphore_mem>>, %arg9: memref<!tpu.dma_semaphore, #tpu.memory_space<semaphore_mem>>, %arg10: memref<!tpu.dma_semaphore, #tpu.memory_space<semaphore_mem>>, %arg11: memref<!tpu.dma_semaphore, #tpu.memory_space<semaphore_mem>>) attributes {dimension_semantics = [#tpu.dimension_semantics<core_parallel>, #tpu.dimension_semantics<subcore_parallel>], iteration_bounds = array<i64: 2, 16>, scalar_prefetch = 0 : i64, scratch_operands = 7 : i64, tpu.core_type = #tpu.core_type<sc_vector_subcore>, window_params = [{transform_indices = #map}, {transform_indices = #map}, {transform_indices = #map1}]} {
    %mul3A = arith.constant 2 : i32
    %mul3A_0 = arith.muli %arg1, %mul3A : i32
    %add3A = arith.addi %mul3A_0, %arg0 : i32
    %mul3A_1 = arith.constant 102400 : i32
    %mul3A_2 = arith.muli %add3A, %mul3A_1 : i32
    "tpu.region"() ({
      %run_scoped3A = tpu.sem_alloc : memref<!tpu.dma_semaphore, #tpu.memory_space<semaphore_mem>>
      tpu.enqueue_dma source(%arg3 : memref<160xf32, #tpu.memory_space<hbm>>) target(%arg5 : memref<160xf32, #tpu.memory_space<vmem>>) target_semaphore(%run_scoped3A : memref<!tpu.dma_semaphore, #tpu.memory_space<semaphore_mem>>)
      tpu.wait_dma2 semaphore(%run_scoped3A : memref<!tpu.dma_semaphore, #tpu.memory_space<semaphore_mem>>) src(%arg3 : memref<160xf32, #tpu.memory_space<hbm>>) dst(%arg5 : memref<160xf32, #tpu.memory_space<vmem>>)
      tpu.yield
    }) : () -> ()
    %add3A_3 = arith.constant 0 : i32
    %add3A_4 = arith.addi %mul3A_2, %add3A_3 : i32
    %dma_start3A = arith.constant 0 : i32
    %dma_start3A_5 = arith.constant 0 : i32
    %dma_start3A_6 = tpu.memref_slice %arg6[%dma_start3A, %dma_start3A_5] : memref<2x2048xi32, #tpu.memory_space<vmem>> -> memref<1x2048xi32, #tpu.memory_space<vmem>>
    %dma_start3A_7 = tpu.memref_squeeze %dma_start3A_6 : memref<1x2048xi32, #tpu.memory_space<vmem>> -> memref<2048xi32, #tpu.memory_space<vmem>>
    %dma_start3A_8 = tpu.memref_slice %arg2[%add3A_4] : memref<3276800xi32, #tpu.memory_space<hbm>> -> memref<2048xi32, #tpu.memory_space<hbm>>
    %dma_start3A_9 = arith.constant 0 : i32
    %dma_start3A_10 = tpu.memref_slice %arg6[%dma_start3A, %dma_start3A_9] : memref<2x2048xi32, #tpu.memory_space<vmem>> -> memref<1x2048xi32, #tpu.memory_space<vmem>>
    %dma_start3A_11 = tpu.memref_squeeze %dma_start3A_10 : memref<1x2048xi32, #tpu.memory_space<vmem>> -> memref<2048xi32, #tpu.memory_space<vmem>>
    %dma_start3A_12 = tpu.memref_slice %arg2[%add3A_4] : memref<3276800xi32, #tpu.memory_space<hbm>> -> memref<2048xi32, #tpu.memory_space<hbm>>
    tpu.enqueue_dma source(%dma_start3A_12 : memref<2048xi32, #tpu.memory_space<hbm>>) target(%dma_start3A_11 : memref<2048xi32, #tpu.memory_space<vmem>>) target_semaphore(%arg8 : memref<!tpu.dma_semaphore, #tpu.memory_space<semaphore_mem>>)
    %add3A_13 = arith.constant 2048 : i32
    %add3A_14 = arith.addi %mul3A_2, %add3A_13 : i32
    %dma_start3A_15 = arith.constant 1 : i32
    %dma_start3A_16 = arith.constant 0 : i32
    %dma_start3A_17 = tpu.memref_slice %arg6[%dma_start3A_15, %dma_start3A_16] : memref<2x2048xi32, #tpu.memory_space<vmem>> -> memref<1x2048xi32, #tpu.memory_space<vmem>>
    %dma_start3A_18 = tpu.memref_squeeze %dma_start3A_17 : memref<1x2048xi32, #tpu.memory_space<vmem>> -> memref<2048xi32, #tpu.memory_space<vmem>>
    %dma_start3A_19 = tpu.memref_slice %arg2[%add3A_14] : memref<3276800xi32, #tpu.memory_space<hbm>> -> memref<2048xi32, #tpu.memory_space<hbm>>
    %dma_start3A_20 = arith.constant 0 : i32
    %dma_start3A_21 = tpu.memref_slice %arg6[%dma_start3A_15, %dma_start3A_20] : memref<2x2048xi32, #tpu.memory_space<vmem>> -> memref<1x2048xi32, #tpu.memory_space<vmem>>
    %dma_start3A_22 = tpu.memref_squeeze %dma_start3A_21 : memref<1x2048xi32, #tpu.memory_space<vmem>> -> memref<2048xi32, #tpu.memory_space<vmem>>
    %dma_start3A_23 = tpu.memref_slice %arg2[%add3A_14] : memref<3276800xi32, #tpu.memory_space<hbm>> -> memref<2048xi32, #tpu.memory_space<hbm>>
    tpu.enqueue_dma source(%dma_start3A_23 : memref<2048xi32, #tpu.memory_space<hbm>>) target(%dma_start3A_22 : memref<2048xi32, #tpu.memory_space<vmem>>) target_semaphore(%arg9 : memref<!tpu.dma_semaphore, #tpu.memory_space<semaphore_mem>>)
    %scan3A = arith.constant 0 : i32
    %scan3A_24 = arith.constant 0 : i32
    %scan3A_25 = arith.constant 25 : i32
    %scan3A_26 = arith.addi %scan3A_24, %scan3A_25 : i32
    %scan3A_27 = arith.constant 1 : i32
    %scan3A_28 = scf.for %scan3A_59 = %scan3A_24 to %scan3A_26 step %scan3A_27 iter_args(%scan3A_60 = %scan3A) -> (i32)  : i32 {
      %mul3A_61 = arith.constant 2 : i32
      %mul3A_62 = arith.muli %scan3A_59, %mul3A_61 : i32
      %add3A_63 = arith.constant 0 : i32
      %add3A_64 = arith.addi %mul3A_62, %add3A_63 : i32
      %mul3A_65 = arith.constant 2048 : i32
      %mul3A_66 = arith.muli %add3A_64, %mul3A_65 : i32
      %add3A_67 = arith.addi %mul3A_2, %mul3A_66 : i32
      %dma_wait3A_68 = arith.constant 0 : i32
      %dma_wait3A_69 = arith.constant 0 : i32
      %dma_wait3A_70 = tpu.memref_slice %arg6[%dma_wait3A_68, %dma_wait3A_69] : memref<2x2048xi32, #tpu.memory_space<vmem>> -> memref<1x2048xi32, #tpu.memory_space<vmem>>
      %dma_wait3A_71 = tpu.memref_squeeze %dma_wait3A_70 : memref<1x2048xi32, #tpu.memory_space<vmem>> -> memref<2048xi32, #tpu.memory_space<vmem>>
      %dma_wait3A_72 = tpu.memref_slice %arg2[%add3A_67] : memref<3276800xi32, #tpu.memory_space<hbm>> -> memref<2048xi32, #tpu.memory_space<hbm>>
      %dma_wait3A_73 = arith.constant 0 : i32
      %dma_wait3A_74 = tpu.memref_slice %arg6[%dma_wait3A_68, %dma_wait3A_73] : memref<2x2048xi32, #tpu.memory_space<vmem>> -> memref<1x2048xi32, #tpu.memory_space<vmem>>
      %dma_wait3A_75 = tpu.memref_squeeze %dma_wait3A_74 : memref<1x2048xi32, #tpu.memory_space<vmem>> -> memref<2048xi32, #tpu.memory_space<vmem>>
      %dma_wait3A_76 = tpu.memref_slice %arg2[%add3A_67] : memref<3276800xi32, #tpu.memory_space<hbm>> -> memref<2048xi32, #tpu.memory_space<hbm>>
      tpu.wait_dma2 semaphore(%arg8 : memref<!tpu.dma_semaphore, #tpu.memory_space<semaphore_mem>>) src(%dma_wait3A_76 : memref<2048xi32, #tpu.memory_space<hbm>>) dst(%dma_wait3A_75 : memref<2048xi32, #tpu.memory_space<vmem>>)
      %gt3A = arith.constant 0 : i32
      %gt3A_77 = arith.cmpi sgt, %scan3A_59, %gt3A : i32
      %convert_element_type3A = arith.extui %gt3A_77 : i1 to i32
      %cond3A = arith.constant 0 : i32
      %cond3A_78 = arith.cmpi ne, %convert_element_type3A, %cond3A : i32
      scf.if %cond3A_78 {
        %sub3A = arith.constant 4096 : i32
        %sub3A_141 = arith.subi %add3A_67, %sub3A : i32
        %dma_wait3A_142 = arith.constant 0 : i32
        %dma_wait3A_143 = arith.constant 0 : i32
        %dma_wait3A_144 = arith.constant 0 : i32
        %dma_wait3A_145 = tpu.memref_slice %arg7[%dma_wait3A_142, %dma_wait3A_143, %dma_wait3A_144] : memref<2x20x2048xf32, #tpu.memory_space<vmem>> -> memref<1x20x2048xf32, #tpu.memory_space<vmem>>
        %dma_wait3A_146 = tpu.memref_squeeze %dma_wait3A_145 : memref<1x20x2048xf32, #tpu.memory_space<vmem>> -> memref<20x2048xf32, #tpu.memory_space<vmem>>
        %dma_wait3A_147 = arith.constant 0 : i32
        %dma_wait3A_148 = tpu.memref_slice %arg4[%dma_wait3A_147, %sub3A_141] : memref<20x3276800xf32, #tpu.memory_space<hbm>> -> memref<20x2048xf32, #tpu.memory_space<hbm>>
        %dma_wait3A_149 = arith.constant 0 : i32
        %dma_wait3A_150 = tpu.memref_slice %arg4[%dma_wait3A_149, %sub3A_141] : memref<20x3276800xf32, #tpu.memory_space<hbm>> -> memref<20x2048xf32, #tpu.memory_space<hbm>>
        %dma_wait3A_151 = arith.constant 0 : i32
        %dma_wait3A_152 = arith.constant 0 : i32
        %dma_wait3A_153 = tpu.memref_slice %arg7[%dma_wait3A_142, %dma_wait3A_151, %dma_wait3A_152] : memref<2x20x2048xf32, #tpu.memory_space<vmem>> -> memref<1x20x2048xf32, #tpu.memory_space<vmem>>
        %dma_wait3A_154 = tpu.memref_squeeze %dma_wait3A_153 : memref<1x20x2048xf32, #tpu.memory_space<vmem>> -> memref<20x2048xf32, #tpu.memory_space<vmem>>
        tpu.wait_dma2 semaphore(%arg10 : memref<!tpu.dma_semaphore, #tpu.memory_space<semaphore_mem>>) src(%dma_wait3A_154 : memref<20x2048xf32, #tpu.memory_space<vmem>>) dst(%dma_wait3A_150 : memref<20x2048xf32, #tpu.memory_space<hbm>>)
      } else {
      }
      %parallel_loop3A = arith.constant 0 : i32
      %parallel_loop3A_79 = arith.constant 128 : i32
      %parallel_loop3A_80 = arith.constant 1 : i32
      scf.for %parallel_loop3A_141 = %parallel_loop3A to %parallel_loop3A_79 step %parallel_loop3A_80  : i32 {
        %parallel_loop3A_142 = arith.constant 16 : i32
        %parallel_loop3A_143 = arith.muli %parallel_loop3A_141, %parallel_loop3A_142 : i32
        %parallel_loop3A_144 = arith.constant 0 : i32
        %parallel_loop3A_145 = arith.index_cast %parallel_loop3A_144 : i32 to index
        %parallel_loop3A_146 = arith.index_cast %parallel_loop3A_143 : i32 to index
        %parallel_loop3A_147 = tpu.vector_load %arg6[%parallel_loop3A_145, %parallel_loop3A_146] {strides = array<i32>} : memref<2x2048xi32, #tpu.memory_space<vmem>>, vector<16xi32>,
        %parallel_loop3A_148 = arith.constant 4 : i32
        %parallel_loop3A_149 = vector.broadcast %parallel_loop3A_148 : i32 to vector<16xi32>
        %parallel_loop3A_150 = arith.addi %parallel_loop3A_147, %parallel_loop3A_149 : vector<16xi32>
        %parallel_loop3A_151 = arith.constant 0 : i32
        %parallel_loop3A_152 = vector.broadcast %parallel_loop3A_151 : i32 to vector<16xi32>
        %parallel_loop3A_153 = arith.maxsi %parallel_loop3A_150, %parallel_loop3A_152 : vector<16xi32>
        %parallel_loop3A_154 = arith.constant 7 : i32
        %parallel_loop3A_155 = vector.broadcast %parallel_loop3A_154 : i32 to vector<16xi32>
        %parallel_loop3A_156 = arith.minsi %parallel_loop3A_153, %parallel_loop3A_155 : vector<16xi32>
        %parallel_loop3A_157 = arith.constant 0 : i32
        %parallel_loop3A_158 = vector.broadcast %parallel_loop3A_157 : i32 to vector<16xi32>
        %parallel_loop3A_159 = arith.addi %parallel_loop3A_156, %parallel_loop3A_158 : vector<16xi32>
        %parallel_loop3A_160 = tpu.vector_load_idx %arg5[%parallel_loop3A_159] : memref<160xf32, #tpu.memory_space<vmem>>[vector<16xi32>], vector<16xf32>,
        %parallel_loop3A_161 = arith.constant 0 : i32
        %parallel_loop3A_162 = arith.constant 0 : i32
        %parallel_loop3A_163 = arith.index_cast %parallel_loop3A_161 : i32 to index
        %parallel_loop3A_164 = arith.index_cast %parallel_loop3A_162 : i32 to index
        %parallel_loop3A_165 = arith.index_cast %parallel_loop3A_143 : i32 to index
        %parallel_loop3A_166 = tpu.vector_load %arg7[%parallel_loop3A_163, %parallel_loop3A_164, %parallel_loop3A_165] {strides = array<i32>} : memref<2x20x2048xf32, #tpu.memory_space<vmem>>, vector<16xf32>,
        tpu.vector_store %arg7[%parallel_loop3A_163, %parallel_loop3A_164, %parallel_loop3A_165], %parallel_loop3A_160 {strides = array<i32>} : memref<2x20x2048xf32, #tpu.memory_space<vmem>>, vector<16xf32>,
        %parallel_loop3A_167 = arith.constant 8 : i32
        %parallel_loop3A_168 = vector.broadcast %parallel_loop3A_167 : i32 to vector<16xi32>
        %parallel_loop3A_169 = arith.addi %parallel_loop3A_156, %parallel_loop3A_168 : vector<16xi32>
        %parallel_loop3A_170 = tpu.vector_load_idx %arg5[%parallel_loop3A_169] : memref<160xf32, #tpu.memory_space<vmem>>[vector<16xi32>], vector<16xf32>,
        %parallel_loop3A_171 = arith.constant 0 : i32
        %parallel_loop3A_172 = arith.constant 1 : i32
        %parallel_loop3A_173 = arith.index_cast %parallel_loop3A_171 : i32 to index
        %parallel_loop3A_174 = arith.index_cast %parallel_loop3A_172 : i32 to index
        %parallel_loop3A_175 = arith.index_cast %parallel_loop3A_143 : i32 to index
        %parallel_loop3A_176 = tpu.vector_load %arg7[%parallel_loop3A_173, %parallel_loop3A_174, %parallel_loop3A_175] {strides = array<i32>} : memref<2x20x2048xf32, #tpu.memory_space<vmem>>, vector<16xf32>,
        tpu.vector_store %arg7[%parallel_loop3A_173, %parallel_loop3A_174, %parallel_loop3A_175], %parallel_loop3A_170 {strides = array<i32>} : memref<2x20x2048xf32, #tpu.memory_space<vmem>>, vector<16xf32>,
        %parallel_loop3A_177 = arith.constant 16 : i32
        %parallel_loop3A_178 = vector.broadcast %parallel_loop3A_177 : i32 to vector<16xi32>
        %parallel_loop3A_179 = arith.addi %parallel_loop3A_156, %parallel_loop3A_178 : vector<16xi32>
        %parallel_loop3A_180 = tpu.vector_load_idx %arg5[%parallel_loop3A_179] : memref<160xf32, #tpu.memory_space<vmem>>[vector<16xi32>], vector<16xf32>,
        %parallel_loop3A_181 = arith.constant 0 : i32
        %parallel_loop3A_182 = arith.constant 2 : i32
        %parallel_loop3A_183 = arith.index_cast %parallel_loop3A_181 : i32 to index
        %parallel_loop3A_184 = arith.index_cast %parallel_loop3A_182 : i32 to index
        %parallel_loop3A_185 = arith.index_cast %parallel_loop3A_143 : i32 to index
        %parallel_loop3A_186 = tpu.vector_load %arg7[%parallel_loop3A_183, %parallel_loop3A_184, %parallel_loop3A_185] {strides = array<i32>} : memref<2x20x2048xf32, #tpu.memory_space<vmem>>, vector<16xf32>,
        tpu.vector_store %arg7[%parallel_loop3A_183, %parallel_loop3A_184, %parallel_loop3A_185], %parallel_loop3A_180 {strides = array<i32>} : memref<2x20x2048xf32, #tpu.memory_space<vmem>>, vector<16xf32>,
        %parallel_loop3A_187 = arith.constant 24 : i32
        %parallel_loop3A_188 = vector.broadcast %parallel_loop3A_187 : i32 to vector<16xi32>
        %parallel_loop3A_189 = arith.addi %parallel_loop3A_156, %parallel_loop3A_188 : vector<16xi32>
        %parallel_loop3A_190 = tpu.vector_load_idx %arg5[%parallel_loop3A_189] : memref<160xf32, #tpu.memory_space<vmem>>[vector<16xi32>], vector<16xf32>,
        %parallel_loop3A_191 = arith.constant 0 : i32
        %parallel_loop3A_192 = arith.constant 3 : i32
        %parallel_loop3A_193 = arith.index_cast %parallel_loop3A_191 : i32 to index
        %parallel_loop3A_194 = arith.index_cast %parallel_loop3A_192 : i32 to index
        %parallel_loop3A_195 = arith.index_cast %parallel_loop3A_143 : i32 to index
        %parallel_loop3A_196 = tpu.vector_load %arg7[%parallel_loop3A_193, %parallel_loop3A_194, %parallel_loop3A_195] {strides = array<i32>} : memref<2x20x2048xf32, #tpu.memory_space<vmem>>, vector<16xf32>,
        tpu.vector_store %arg7[%parallel_loop3A_193, %parallel_loop3A_194, %parallel_loop3A_195], %parallel_loop3A_190 {strides = array<i32>} : memref<2x20x2048xf32, #tpu.memory_space<vmem>>, vector<16xf32>,
        %parallel_loop3A_197 = arith.constant 32 : i32
        %parallel_loop3A_198 = vector.broadcast %parallel_loop3A_197 : i32 to vector<16xi32>
        %parallel_loop3A_199 = arith.addi %parallel_loop3A_156, %parallel_loop3A_198 : vector<16xi32>
        %parallel_loop3A_200 = tpu.vector_load_idx %arg5[%parallel_loop3A_199] : memref<160xf32, #tpu.memory_space<vmem>>[vector<16xi32>], vector<16xf32>,
        %parallel_loop3A_201 = arith.constant 0 : i32
        %parallel_loop3A_202 = arith.constant 4 : i32
        %parallel_loop3A_203 = arith.index_cast %parallel_loop3A_201 : i32 to index
        %parallel_loop3A_204 = arith.index_cast %parallel_loop3A_202 : i32 to index
        %parallel_loop3A_205 = arith.index_cast %parallel_loop3A_143 : i32 to index
        %parallel_loop3A_206 = tpu.vector_load %arg7[%parallel_loop3A_203, %parallel_loop3A_204, %parallel_loop3A_205] {strides = array<i32>} : memref<2x20x2048xf32, #tpu.memory_space<vmem>>, vector<16xf32>,
        tpu.vector_store %arg7[%parallel_loop3A_203, %parallel_loop3A_204, %parallel_loop3A_205], %parallel_loop3A_200 {strides = array<i32>} : memref<2x20x2048xf32, #tpu.memory_space<vmem>>, vector<16xf32>,
        %parallel_loop3A_207 = arith.constant 40 : i32
        %parallel_loop3A_208 = vector.broadcast %parallel_loop3A_207 : i32 to vector<16xi32>
        %parallel_loop3A_209 = arith.addi %parallel_loop3A_156, %parallel_loop3A_208 : vector<16xi32>
        %parallel_loop3A_210 = tpu.vector_load_idx %arg5[%parallel_loop3A_209] : memref<160xf32, #tpu.memory_space<vmem>>[vector<16xi32>], vector<16xf32>,
        %parallel_loop3A_211 = arith.constant 0 : i32
        %parallel_loop3A_212 = arith.constant 5 : i32
        %parallel_loop3A_213 = arith.index_cast %parallel_loop3A_211 : i32 to index
        %parallel_loop3A_214 = arith.index_cast %parallel_loop3A_212 : i32 to index
        %parallel_loop3A_215 = arith.index_cast %parallel_loop3A_143 : i32 to index
        %parallel_loop3A_216 = tpu.vector_load %arg7[%parallel_loop3A_213, %parallel_loop3A_214, %parallel_loop3A_215] {strides = array<i32>} : memref<2x20x2048xf32, #tpu.memory_space<vmem>>, vector<16xf32>,
        tpu.vector_store %arg7[%parallel_loop3A_213, %parallel_loop3A_214, %parallel_loop3A_215], %parallel_loop3A_210 {strides = array<i32>} : memref<2x20x2048xf32, #tpu.memory_space<vmem>>, vector<16xf32>,
        %parallel_loop3A_217 = arith.constant 48 : i32
        %parallel_loop3A_218 = vector.broadcast %parallel_loop3A_217 : i32 to vector<16xi32>
        %parallel_loop3A_219 = arith.addi %parallel_loop3A_156, %parallel_loop3A_218 : vector<16xi32>
        %parallel_loop3A_220 = tpu.vector_load_idx %arg5[%parallel_loop3A_219] : memref<160xf32, #tpu.memory_space<vmem>>[vector<16xi32>], vector<16xf32>,
        %parallel_loop3A_221 = arith.constant 0 : i32
        %parallel_loop3A_222 = arith.constant 6 : i32
        %parallel_loop3A_223 = arith.index_cast %parallel_loop3A_221 : i32 to index
        %parallel_loop3A_224 = arith.index_cast %parallel_loop3A_222 : i32 to index
        %parallel_loop3A_225 = arith.index_cast %parallel_loop3A_143 : i32 to index
        %parallel_loop3A_226 = tpu.vector_load %arg7[%parallel_loop3A_223, %parallel_loop3A_224, %parallel_loop3A_225] {strides = array<i32>} : memref<2x20x2048xf32, #tpu.memory_space<vmem>>, vector<16xf32>,
        tpu.vector_store %arg7[%parallel_loop3A_223, %parallel_loop3A_224, %parallel_loop3A_225], %parallel_loop3A_220 {strides = array<i32>} : memref<2x20x2048xf32, #tpu.memory_space<vmem>>, vector<16xf32>,
        %parallel_loop3A_227 = arith.constant 56 : i32
        %parallel_loop3A_228 = vector.broadcast %parallel_loop3A_227 : i32 to vector<16xi32>
        %parallel_loop3A_229 = arith.addi %parallel_loop3A_156, %parallel_loop3A_228 : vector<16xi32>
        %parallel_loop3A_230 = tpu.vector_load_idx %arg5[%parallel_loop3A_229] : memref<160xf32, #tpu.memory_space<vmem>>[vector<16xi32>], vector<16xf32>,
        %parallel_loop3A_231 = arith.constant 0 : i32
        %parallel_loop3A_232 = arith.constant 7 : i32
        %parallel_loop3A_233 = arith.index_cast %parallel_loop3A_231 : i32 to index
        %parallel_loop3A_234 = arith.index_cast %parallel_loop3A_232 : i32 to index
        %parallel_loop3A_235 = arith.index_cast %parallel_loop3A_143 : i32 to index
        %parallel_loop3A_236 = tpu.vector_load %arg7[%parallel_loop3A_233, %parallel_loop3A_234, %parallel_loop3A_235] {strides = array<i32>} : memref<2x20x2048xf32, #tpu.memory_space<vmem>>, vector<16xf32>,
        tpu.vector_store %arg7[%parallel_loop3A_233, %parallel_loop3A_234, %parallel_loop3A_235], %parallel_loop3A_230 {strides = array<i32>} : memref<2x20x2048xf32, #tpu.memory_space<vmem>>, vector<16xf32>,
        %parallel_loop3A_237 = arith.constant 64 : i32
        %parallel_loop3A_238 = vector.broadcast %parallel_loop3A_237 : i32 to vector<16xi32>
        %parallel_loop3A_239 = arith.addi %parallel_loop3A_156, %parallel_loop3A_238 : vector<16xi32>
        %parallel_loop3A_240 = tpu.vector_load_idx %arg5[%parallel_loop3A_239] : memref<160xf32, #tpu.memory_space<vmem>>[vector<16xi32>], vector<16xf32>,
        %parallel_loop3A_241 = arith.constant 0 : i32
        %parallel_loop3A_242 = arith.constant 8 : i32
        %parallel_loop3A_243 = arith.index_cast %parallel_loop3A_241 : i32 to index
        %parallel_loop3A_244 = arith.index_cast %parallel_loop3A_242 : i32 to index
        %parallel_loop3A_245 = arith.index_cast %parallel_loop3A_143 : i32 to index
        %parallel_loop3A_246 = tpu.vector_load %arg7[%parallel_loop3A_243, %parallel_loop3A_244, %parallel_loop3A_245] {strides = array<i32>} : memref<2x20x2048xf32, #tpu.memory_space<vmem>>, vector<16xf32>,
        tpu.vector_store %arg7[%parallel_loop3A_243, %parallel_loop3A_244, %parallel_loop3A_245], %parallel_loop3A_240 {strides = array<i32>} : memref<2x20x2048xf32, #tpu.memory_space<vmem>>, vector<16xf32>,
        %parallel_loop3A_247 = arith.constant 72 : i32
        %parallel_loop3A_248 = vector.broadcast %parallel_loop3A_247 : i32 to vector<16xi32>
        %parallel_loop3A_249 = arith.addi %parallel_loop3A_156, %parallel_loop3A_248 : vector<16xi32>
        %parallel_loop3A_250 = tpu.vector_load_idx %arg5[%parallel_loop3A_249] : memref<160xf32, #tpu.memory_space<vmem>>[vector<16xi32>], vector<16xf32>,
        %parallel_loop3A_251 = arith.constant 0 : i32
        %parallel_loop3A_252 = arith.constant 9 : i32
        %parallel_loop3A_253 = arith.index_cast %parallel_loop3A_251 : i32 to index
        %parallel_loop3A_254 = arith.index_cast %parallel_loop3A_252 : i32 to index
        %parallel_loop3A_255 = arith.index_cast %parallel_loop3A_143 : i32 to index
        %parallel_loop3A_256 = tpu.vector_load %arg7[%parallel_loop3A_253, %parallel_loop3A_254, %parallel_loop3A_255] {strides = array<i32>} : memref<2x20x2048xf32, #tpu.memory_space<vmem>>, vector<16xf32>,
        tpu.vector_store %arg7[%parallel_loop3A_253, %parallel_loop3A_254, %parallel_loop3A_255], %parallel_loop3A_250 {strides = array<i32>} : memref<2x20x2048xf32, #tpu.memory_space<vmem>>, vector<16xf32>,
        %parallel_loop3A_257 = arith.constant 80 : i32
        %parallel_loop3A_258 = vector.broadcast %parallel_loop3A_257 : i32 to vector<16xi32>
        %parallel_loop3A_259 = arith.addi %parallel_loop3A_156, %parallel_loop3A_258 : vector<16xi32>
        %parallel_loop3A_260 = tpu.vector_load_idx %arg5[%parallel_loop3A_259] : memref<160xf32, #tpu.memory_space<vmem>>[vector<16xi32>], vector<16xf32>,
        %parallel_loop3A_261 = arith.constant 0 : i32
        %parallel_loop3A_262 = arith.constant 10 : i32
        %parallel_loop3A_263 = arith.index_cast %parallel_loop3A_261 : i32 to index
        %parallel_loop3A_264 = arith.index_cast %parallel_loop3A_262 : i32 to index
        %parallel_loop3A_265 = arith.index_cast %parallel_loop3A_143 : i32 to index
        %parallel_loop3A_266 = tpu.vector_load %arg7[%parallel_loop3A_263, %parallel_loop3A_264, %parallel_loop3A_265] {strides = array<i32>} : memref<2x20x2048xf32, #tpu.memory_space<vmem>>, vector<16xf32>,
        tpu.vector_store %arg7[%parallel_loop3A_263, %parallel_loop3A_264, %parallel_loop3A_265], %parallel_loop3A_260 {strides = array<i32>} : memref<2x20x2048xf32, #tpu.memory_space<vmem>>, vector<16xf32>,
        %parallel_loop3A_267 = arith.constant 88 : i32
        %parallel_loop3A_268 = vector.broadcast %parallel_loop3A_267 : i32 to vector<16xi32>
        %parallel_loop3A_269 = arith.addi %parallel_loop3A_156, %parallel_loop3A_268 : vector<16xi32>
        %parallel_loop3A_270 = tpu.vector_load_idx %arg5[%parallel_loop3A_269] : memref<160xf32, #tpu.memory_space<vmem>>[vector<16xi32>], vector<16xf32>,
        %parallel_loop3A_271 = arith.constant 0 : i32
        %parallel_loop3A_272 = arith.constant 11 : i32
        %parallel_loop3A_273 = arith.index_cast %parallel_loop3A_271 : i32 to index
        %parallel_loop3A_274 = arith.index_cast %parallel_loop3A_272 : i32 to index
        %parallel_loop3A_275 = arith.index_cast %parallel_loop3A_143 : i32 to index
        %parallel_loop3A_276 = tpu.vector_load %arg7[%parallel_loop3A_273, %parallel_loop3A_274, %parallel_loop3A_275] {strides = array<i32>} : memref<2x20x2048xf32, #tpu.memory_space<vmem>>, vector<16xf32>,
        tpu.vector_store %arg7[%parallel_loop3A_273, %parallel_loop3A_274, %parallel_loop3A_275], %parallel_loop3A_270 {strides = array<i32>} : memref<2x20x2048xf32, #tpu.memory_space<vmem>>, vector<16xf32>,
        %parallel_loop3A_277 = arith.constant 96 : i32
        %parallel_loop3A_278 = vector.broadcast %parallel_loop3A_277 : i32 to vector<16xi32>
        %parallel_loop3A_279 = arith.addi %parallel_loop3A_156, %parallel_loop3A_278 : vector<16xi32>
        %parallel_loop3A_280 = tpu.vector_load_idx %arg5[%parallel_loop3A_279] : memref<160xf32, #tpu.memory_space<vmem>>[vector<16xi32>], vector<16xf32>,
        %parallel_loop3A_281 = arith.constant 0 : i32
        %parallel_loop3A_282 = arith.constant 12 : i32
        %parallel_loop3A_283 = arith.index_cast %parallel_loop3A_281 : i32 to index
        %parallel_loop3A_284 = arith.index_cast %parallel_loop3A_282 : i32 to index
        %parallel_loop3A_285 = arith.index_cast %parallel_loop3A_143 : i32 to index
        %parallel_loop3A_286 = tpu.vector_load %arg7[%parallel_loop3A_283, %parallel_loop3A_284, %parallel_loop3A_285] {strides = array<i32>} : memref<2x20x2048xf32, #tpu.memory_space<vmem>>, vector<16xf32>,
        tpu.vector_store %arg7[%parallel_loop3A_283, %parallel_loop3A_284, %parallel_loop3A_285], %parallel_loop3A_280 {strides = array<i32>} : memref<2x20x2048xf32, #tpu.memory_space<vmem>>, vector<16xf32>,
        %parallel_loop3A_287 = arith.constant 104 : i32
        %parallel_loop3A_288 = vector.broadcast %parallel_loop3A_287 : i32 to vector<16xi32>
        %parallel_loop3A_289 = arith.addi %parallel_loop3A_156, %parallel_loop3A_288 : vector<16xi32>
        %parallel_loop3A_290 = tpu.vector_load_idx %arg5[%parallel_loop3A_289] : memref<160xf32, #tpu.memory_space<vmem>>[vector<16xi32>], vector<16xf32>,
        %parallel_loop3A_291 = arith.constant 0 : i32
        %parallel_loop3A_292 = arith.constant 13 : i32
        %parallel_loop3A_293 = arith.index_cast %parallel_loop3A_291 : i32 to index
        %parallel_loop3A_294 = arith.index_cast %parallel_loop3A_292 : i32 to index
        %parallel_loop3A_295 = arith.index_cast %parallel_loop3A_143 : i32 to index
        %parallel_loop3A_296 = tpu.vector_load %arg7[%parallel_loop3A_293, %parallel_loop3A_294, %parallel_loop3A_295] {strides = array<i32>} : memref<2x20x2048xf32, #tpu.memory_space<vmem>>, vector<16xf32>,
        tpu.vector_store %arg7[%parallel_loop3A_293, %parallel_loop3A_294, %parallel_loop3A_295], %parallel_loop3A_290 {strides = array<i32>} : memref<2x20x2048xf32, #tpu.memory_space<vmem>>, vector<16xf32>,
        %parallel_loop3A_297 = arith.constant 112 : i32
        %parallel_loop3A_298 = vector.broadcast %parallel_loop3A_297 : i32 to vector<16xi32>
        %parallel_loop3A_299 = arith.addi %parallel_loop3A_156, %parallel_loop3A_298 : vector<16xi32>
        %parallel_loop3A_300 = tpu.vector_load_idx %arg5[%parallel_loop3A_299] : memref<160xf32, #tpu.memory_space<vmem>>[vector<16xi32>], vector<16xf32>,
        %parallel_loop3A_301 = arith.constant 0 : i32
        %parallel_loop3A_302 = arith.constant 14 : i32
        %parallel_loop3A_303 = arith.index_cast %parallel_loop3A_301 : i32 to index
        %parallel_loop3A_304 = arith.index_cast %parallel_loop3A_302 : i32 to index
        %parallel_loop3A_305 = arith.index_cast %parallel_loop3A_143 : i32 to index
        %parallel_loop3A_306 = tpu.vector_load %arg7[%parallel_loop3A_303, %parallel_loop3A_304, %parallel_loop3A_305] {strides = array<i32>} : memref<2x20x2048xf32, #tpu.memory_space<vmem>>, vector<16xf32>,
        tpu.vector_store %arg7[%parallel_loop3A_303, %parallel_loop3A_304, %parallel_loop3A_305], %parallel_loop3A_300 {strides = array<i32>} : memref<2x20x2048xf32, #tpu.memory_space<vmem>>, vector<16xf32>,
        %parallel_loop3A_307 = arith.constant 120 : i32
        %parallel_loop3A_308 = vector.broadcast %parallel_loop3A_307 : i32 to vector<16xi32>
        %parallel_loop3A_309 = arith.addi %parallel_loop3A_156, %parallel_loop3A_308 : vector<16xi32>
        %parallel_loop3A_310 = tpu.vector_load_idx %arg5[%parallel_loop3A_309] : memref<160xf32, #tpu.memory_space<vmem>>[vector<16xi32>], vector<16xf32>,
        %parallel_loop3A_311 = arith.constant 0 : i32
        %parallel_loop3A_312 = arith.constant 15 : i32
        %parallel_loop3A_313 = arith.index_cast %parallel_loop3A_311 : i32 to index
        %parallel_loop3A_314 = arith.index_cast %parallel_loop3A_312 : i32 to index
        %parallel_loop3A_315 = arith.index_cast %parallel_loop3A_143 : i32 to index
        %parallel_loop3A_316 = tpu.vector_load %arg7[%parallel_loop3A_313, %parallel_loop3A_314, %parallel_loop3A_315] {strides = array<i32>} : memref<2x20x2048xf32, #tpu.memory_space<vmem>>, vector<16xf32>,
        tpu.vector_store %arg7[%parallel_loop3A_313, %parallel_loop3A_314, %parallel_loop3A_315], %parallel_loop3A_310 {strides = array<i32>} : memref<2x20x2048xf32, #tpu.memory_space<vmem>>, vector<16xf32>,
        %parallel_loop3A_317 = arith.constant 128 : i32
        %parallel_loop3A_318 = vector.broadcast %parallel_loop3A_317 : i32 to vector<16xi32>
        %parallel_loop3A_319 = arith.addi %parallel_loop3A_156, %parallel_loop3A_318 : vector<16xi32>
        %parallel_loop3A_320 = tpu.vector_load_idx %arg5[%parallel_loop3A_319] : memref<160xf32, #tpu.memory_space<vmem>>[vector<16xi32>], vector<16xf32>,
        %parallel_loop3A_321 = arith.constant 0 : i32
        %parallel_loop3A_322 = arith.constant 16 : i32
        %parallel_loop3A_323 = arith.index_cast %parallel_loop3A_321 : i32 to index
        %parallel_loop3A_324 = arith.index_cast %parallel_loop3A_322 : i32 to index
        %parallel_loop3A_325 = arith.index_cast %parallel_loop3A_143 : i32 to index
        %parallel_loop3A_326 = tpu.vector_load %arg7[%parallel_loop3A_323, %parallel_loop3A_324, %parallel_loop3A_325] {strides = array<i32>} : memref<2x20x2048xf32, #tpu.memory_space<vmem>>, vector<16xf32>,
        tpu.vector_store %arg7[%parallel_loop3A_323, %parallel_loop3A_324, %parallel_loop3A_325], %parallel_loop3A_320 {strides = array<i32>} : memref<2x20x2048xf32, #tpu.memory_space<vmem>>, vector<16xf32>,
        %parallel_loop3A_327 = arith.constant 136 : i32
        %parallel_loop3A_328 = vector.broadcast %parallel_loop3A_327 : i32 to vector<16xi32>
        %parallel_loop3A_329 = arith.addi %parallel_loop3A_156, %parallel_loop3A_328 : vector<16xi32>
        %parallel_loop3A_330 = tpu.vector_load_idx %arg5[%parallel_loop3A_329] : memref<160xf32, #tpu.memory_space<vmem>>[vector<16xi32>], vector<16xf32>,
        %parallel_loop3A_331 = arith.constant 0 : i32
        %parallel_loop3A_332 = arith.constant 17 : i32
        %parallel_loop3A_333 = arith.index_cast %parallel_loop3A_331 : i32 to index
        %parallel_loop3A_334 = arith.index_cast %parallel_loop3A_332 : i32 to index
        %parallel_loop3A_335 = arith.index_cast %parallel_loop3A_143 : i32 to index
        %parallel_loop3A_336 = tpu.vector_load %arg7[%parallel_loop3A_333, %parallel_loop3A_334, %parallel_loop3A_335] {strides = array<i32>} : memref<2x20x2048xf32, #tpu.memory_space<vmem>>, vector<16xf32>,
        tpu.vector_store %arg7[%parallel_loop3A_333, %parallel_loop3A_334, %parallel_loop3A_335], %parallel_loop3A_330 {strides = array<i32>} : memref<2x20x2048xf32, #tpu.memory_space<vmem>>, vector<16xf32>,
        %parallel_loop3A_337 = arith.constant 144 : i32
        %parallel_loop3A_338 = vector.broadcast %parallel_loop3A_337 : i32 to vector<16xi32>
        %parallel_loop3A_339 = arith.addi %parallel_loop3A_156, %parallel_loop3A_338 : vector<16xi32>
        %parallel_loop3A_340 = tpu.vector_load_idx %arg5[%parallel_loop3A_339] : memref<160xf32, #tpu.memory_space<vmem>>[vector<16xi32>], vector<16xf32>,
        %parallel_loop3A_341 = arith.constant 0 : i32
        %parallel_loop3A_342 = arith.constant 18 : i32
        %parallel_loop3A_343 = arith.index_cast %parallel_loop3A_341 : i32 to index
        %parallel_loop3A_344 = arith.index_cast %parallel_loop3A_342 : i32 to index
        %parallel_loop3A_345 = arith.index_cast %parallel_loop3A_143 : i32 to index
        %parallel_loop3A_346 = tpu.vector_load %arg7[%parallel_loop3A_343, %parallel_loop3A_344, %parallel_loop3A_345] {strides = array<i32>} : memref<2x20x2048xf32, #tpu.memory_space<vmem>>, vector<16xf32>,
        tpu.vector_store %arg7[%parallel_loop3A_343, %parallel_loop3A_344, %parallel_loop3A_345], %parallel_loop3A_340 {strides = array<i32>} : memref<2x20x2048xf32, #tpu.memory_space<vmem>>, vector<16xf32>,
        %parallel_loop3A_347 = arith.constant 152 : i32
        %parallel_loop3A_348 = vector.broadcast %parallel_loop3A_347 : i32 to vector<16xi32>
        %parallel_loop3A_349 = arith.addi %parallel_loop3A_156, %parallel_loop3A_348 : vector<16xi32>
        %parallel_loop3A_350 = tpu.vector_load_idx %arg5[%parallel_loop3A_349] : memref<160xf32, #tpu.memory_space<vmem>>[vector<16xi32>], vector<16xf32>,
        %parallel_loop3A_351 = arith.constant 0 : i32
        %parallel_loop3A_352 = arith.constant 19 : i32
        %parallel_loop3A_353 = arith.index_cast %parallel_loop3A_351 : i32 to index
        %parallel_loop3A_354 = arith.index_cast %parallel_loop3A_352 : i32 to index
        %parallel_loop3A_355 = arith.index_cast %parallel_loop3A_143 : i32 to index
        %parallel_loop3A_356 = tpu.vector_load %arg7[%parallel_loop3A_353, %parallel_loop3A_354, %parallel_loop3A_355] {strides = array<i32>} : memref<2x20x2048xf32, #tpu.memory_space<vmem>>, vector<16xf32>,
        tpu.vector_store %arg7[%parallel_loop3A_353, %parallel_loop3A_354, %parallel_loop3A_355], %parallel_loop3A_350 {strides = array<i32>} : memref<2x20x2048xf32, #tpu.memory_space<vmem>>, vector<16xf32>,
      } {sc.loop_unroll_factor = 2 : i64, sc.parallel_access}
      %dma_start3A_81 = arith.constant 0 : i32
      %dma_start3A_82 = arith.constant 0 : i32
      %dma_start3A_83 = arith.constant 0 : i32
      %dma_start3A_84 = tpu.memref_slice %arg7[%dma_start3A_81, %dma_start3A_82, %dma_start3A_83] : memref<2x20x2048xf32, #tpu.memory_space<vmem>> -> memref<1x20x2048xf32, #tpu.memory_space<vmem>>
      %dma_start3A_85 = tpu.memref_squeeze %dma_start3A_84 : memref<1x20x2048xf32, #tpu.memory_space<vmem>> -> memref<20x2048xf32, #tpu.memory_space<vmem>>
      %dma_start3A_86 = arith.constant 0 : i32
      %dma_start3A_87 = tpu.memref_slice %arg4[%dma_start3A_86, %add3A_67] : memref<20x3276800xf32, #tpu.memory_space<hbm>> -> memref<20x2048xf32, #tpu.memory_space<hbm>>
      %dma_start3A_88 = arith.constant 0 : i32
      %dma_start3A_89 = tpu.memref_slice %arg4[%dma_start3A_88, %add3A_67] : memref<20x3276800xf32, #tpu.memory_space<hbm>> -> memref<20x2048xf32, #tpu.memory_space<hbm>>
      %dma_start3A_90 = arith.constant 0 : i32
      %dma_start3A_91 = arith.constant 0 : i32
      %dma_start3A_92 = tpu.memref_slice %arg7[%dma_start3A_81, %dma_start3A_90, %dma_start3A_91] : memref<2x20x2048xf32, #tpu.memory_space<vmem>> -> memref<1x20x2048xf32, #tpu.memory_space<vmem>>
      %dma_start3A_93 = tpu.memref_squeeze %dma_start3A_92 : memref<1x20x2048xf32, #tpu.memory_space<vmem>> -> memref<20x2048xf32, #tpu.memory_space<vmem>>
      tpu.enqueue_dma source(%dma_start3A_93 : memref<20x2048xf32, #tpu.memory_space<vmem>>) target(%dma_start3A_89 : memref<20x2048xf32, #tpu.memory_space<hbm>>) target_semaphore(%arg10 : memref<!tpu.dma_semaphore, #tpu.memory_space<semaphore_mem>>)
      %lt3A = arith.constant 24 : i32
      %lt3A_94 = arith.cmpi slt, %scan3A_59, %lt3A : i32
      %convert_element_type3A_95 = arith.extui %lt3A_94 : i1 to i32
      %cond3A_96 = arith.constant 0 : i32
      %cond3A_97 = arith.cmpi ne, %convert_element_type3A_95, %cond3A_96 : i32
      scf.if %cond3A_97 {
        %add3A_141 = arith.constant 4096 : i32
        %add3A_142 = arith.addi %add3A_67, %add3A_141 : i32
        %dma_start3A_143 = arith.constant 0 : i32
        %dma_start3A_144 = arith.constant 0 : i32
        %dma_start3A_145 = tpu.memref_slice %arg6[%dma_start3A_143, %dma_start3A_144] : memref<2x2048xi32, #tpu.memory_space<vmem>> -> memref<1x2048xi32, #tpu.memory_space<vmem>>
        %dma_start3A_146 = tpu.memref_squeeze %dma_start3A_145 : memref<1x2048xi32, #tpu.memory_space<vmem>> -> memref<2048xi32, #tpu.memory_space<vmem>>
        %dma_start3A_147 = tpu.memref_slice %arg2[%add3A_142] : memref<3276800xi32, #tpu.memory_space<hbm>> -> memref<2048xi32, #tpu.memory_space<hbm>>
        %dma_start3A_148 = arith.constant 0 : i32
        %dma_start3A_149 = tpu.memref_slice %arg6[%dma_start3A_143, %dma_start3A_148] : memref<2x2048xi32, #tpu.memory_space<vmem>> -> memref<1x2048xi32, #tpu.memory_space<vmem>>
        %dma_start3A_150 = tpu.memref_squeeze %dma_start3A_149 : memref<1x2048xi32, #tpu.memory_space<vmem>> -> memref<2048xi32, #tpu.memory_space<vmem>>
        %dma_start3A_151 = tpu.memref_slice %arg2[%add3A_142] : memref<3276800xi32, #tpu.memory_space<hbm>> -> memref<2048xi32, #tpu.memory_space<hbm>>
        tpu.enqueue_dma source(%dma_start3A_151 : memref<2048xi32, #tpu.memory_space<hbm>>) target(%dma_start3A_150 : memref<2048xi32, #tpu.memory_space<vmem>>) target_semaphore(%arg8 : memref<!tpu.dma_semaphore, #tpu.memory_space<semaphore_mem>>)
      } else {
      }
      %mul3A_98 = arith.constant 2 : i32
      %mul3A_99 = arith.muli %scan3A_59, %mul3A_98 : i32
      %add3A_100 = arith.constant 1 : i32
      %add3A_101 = arith.addi %mul3A_99, %add3A_100 : i32
      %mul3A_102 = arith.constant 2048 : i32
      %mul3A_103 = arith.muli %add3A_101, %mul3A_102 : i32
      %add3A_104 = arith.addi %mul3A_2, %mul3A_103 : i32
      %dma_wait3A_105 = arith.constant 1 : i32
      %dma_wait3A_106 = arith.constant 0 : i32
      %dma_wait3A_107 = tpu.memref_slice %arg6[%dma_wait3A_105, %dma_wait3A_106] : memref<2x2048xi32, #tpu.memory_space<vmem>> -> memref<1x2048xi32, #tpu.memory_space<vmem>>
      %dma_wait3A_108 = tpu.memref_squeeze %dma_wait3A_107 : memref<1x2048xi32, #tpu.memory_space<vmem>> -> memref<2048xi32, #tpu.memory_space<vmem>>
      %dma_wait3A_109 = tpu.memref_slice %arg2[%add3A_104] : memref<3276800xi32, #tpu.memory_space<hbm>> -> memref<2048xi32, #tpu.memory_space<hbm>>
      %dma_wait3A_110 = arith.constant 0 : i32
      %dma_wait3A_111 = tpu.memref_slice %arg6[%dma_wait3A_105, %dma_wait3A_110] : memref<2x2048xi32, #tpu.memory_space<vmem>> -> memref<1x2048xi32, #tpu.memory_space<vmem>>
      %dma_wait3A_112 = tpu.memref_squeeze %dma_wait3A_111 : memref<1x2048xi32, #tpu.memory_space<vmem>> -> memref<2048xi32, #tpu.memory_space<vmem>>
      %dma_wait3A_113 = tpu.memref_slice %arg2[%add3A_104] : memref<3276800xi32, #tpu.memory_space<hbm>> -> memref<2048xi32, #tpu.memory_space<hbm>>
      tpu.wait_dma2 semaphore(%arg9 : memref<!tpu.dma_semaphore, #tpu.memory_space<semaphore_mem>>) src(%dma_wait3A_113 : memref<2048xi32, #tpu.memory_space<hbm>>) dst(%dma_wait3A_112 : memref<2048xi32, #tpu.memory_space<vmem>>)
      %gt3A_114 = arith.constant 0 : i32
      %gt3A_115 = arith.cmpi sgt, %scan3A_59, %gt3A_114 : i32
      %convert_element_type3A_116 = arith.extui %gt3A_115 : i1 to i32
      %cond3A_117 = arith.constant 0 : i32
      %cond3A_118 = arith.cmpi ne, %convert_element_type3A_116, %cond3A_117 : i32
      scf.if %cond3A_118 {
        %sub3A = arith.constant 4096 : i32
        %sub3A_141 = arith.subi %add3A_104, %sub3A : i32
        %dma_wait3A_142 = arith.constant 1 : i32
        %dma_wait3A_143 = arith.constant 0 : i32
        %dma_wait3A_144 = arith.constant 0 : i32
        %dma_wait3A_145 = tpu.memref_slice %arg7[%dma_wait3A_142, %dma_wait3A_143, %dma_wait3A_144] : memref<2x20x2048xf32, #tpu.memory_space<vmem>> -> memref<1x20x2048xf32, #tpu.memory_space<vmem>>
        %dma_wait3A_146 = tpu.memref_squeeze %dma_wait3A_145 : memref<1x20x2048xf32, #tpu.memory_space<vmem>> -> memref<20x2048xf32, #tpu.memory_space<vmem>>
        %dma_wait3A_147 = arith.constant 0 : i32
        %dma_wait3A_148 = tpu.memref_slice %arg4[%dma_wait3A_147, %sub3A_141] : memref<20x3276800xf32, #tpu.memory_space<hbm>> -> memref<20x2048xf32, #tpu.memory_space<hbm>>
        %dma_wait3A_149 = arith.constant 0 : i32
        %dma_wait3A_150 = tpu.memref_slice %arg4[%dma_wait3A_149, %sub3A_141] : memref<20x3276800xf32, #tpu.memory_space<hbm>> -> memref<20x2048xf32, #tpu.memory_space<hbm>>
        %dma_wait3A_151 = arith.constant 0 : i32
        %dma_wait3A_152 = arith.constant 0 : i32
        %dma_wait3A_153 = tpu.memref_slice %arg7[%dma_wait3A_142, %dma_wait3A_151, %dma_wait3A_152] : memref<2x20x2048xf32, #tpu.memory_space<vmem>> -> memref<1x20x2048xf32, #tpu.memory_space<vmem>>
        %dma_wait3A_154 = tpu.memref_squeeze %dma_wait3A_153 : memref<1x20x2048xf32, #tpu.memory_space<vmem>> -> memref<20x2048xf32, #tpu.memory_space<vmem>>
        tpu.wait_dma2 semaphore(%arg11 : memref<!tpu.dma_semaphore, #tpu.memory_space<semaphore_mem>>) src(%dma_wait3A_154 : memref<20x2048xf32, #tpu.memory_space<vmem>>) dst(%dma_wait3A_150 : memref<20x2048xf32, #tpu.memory_space<hbm>>)
      } else {
      }
      %parallel_loop3A_119 = arith.constant 0 : i32
      %parallel_loop3A_120 = arith.constant 128 : i32
      %parallel_loop3A_121 = arith.constant 1 : i32
      scf.for %parallel_loop3A_141 = %parallel_loop3A_119 to %parallel_loop3A_120 step %parallel_loop3A_121  : i32 {
        %parallel_loop3A_142 = arith.constant 16 : i32
        %parallel_loop3A_143 = arith.muli %parallel_loop3A_141, %parallel_loop3A_142 : i32
        %parallel_loop3A_144 = arith.constant 1 : i32
        %parallel_loop3A_145 = arith.index_cast %parallel_loop3A_144 : i32 to index
        %parallel_loop3A_146 = arith.index_cast %parallel_loop3A_143 : i32 to index
        %parallel_loop3A_147 = tpu.vector_load %arg6[%parallel_loop3A_145, %parallel_loop3A_146] {strides = array<i32>} : memref<2x2048xi32, #tpu.memory_space<vmem>>, vector<16xi32>,
        %parallel_loop3A_148 = arith.constant 4 : i32
        %parallel_loop3A_149 = vector.broadcast %parallel_loop3A_148 : i32 to vector<16xi32>
        %parallel_loop3A_150 = arith.addi %parallel_loop3A_147, %parallel_loop3A_149 : vector<16xi32>
        %parallel_loop3A_151 = arith.constant 0 : i32
        %parallel_loop3A_152 = vector.broadcast %parallel_loop3A_151 : i32 to vector<16xi32>
        %parallel_loop3A_153 = arith.maxsi %parallel_loop3A_150, %parallel_loop3A_152 : vector<16xi32>
        %parallel_loop3A_154 = arith.constant 7 : i32
        %parallel_loop3A_155 = vector.broadcast %parallel_loop3A_154 : i32 to vector<16xi32>
        %parallel_loop3A_156 = arith.minsi %parallel_loop3A_153, %parallel_loop3A_155 : vector<16xi32>
        %parallel_loop3A_157 = arith.constant 0 : i32
        %parallel_loop3A_158 = vector.broadcast %parallel_loop3A_157 : i32 to vector<16xi32>
        %parallel_loop3A_159 = arith.addi %parallel_loop3A_156, %parallel_loop3A_158 : vector<16xi32>
        %parallel_loop3A_160 = tpu.vector_load_idx %arg5[%parallel_loop3A_159] : memref<160xf32, #tpu.memory_space<vmem>>[vector<16xi32>], vector<16xf32>,
        %parallel_loop3A_161 = arith.constant 1 : i32
        %parallel_loop3A_162 = arith.constant 0 : i32
        %parallel_loop3A_163 = arith.index_cast %parallel_loop3A_161 : i32 to index
        %parallel_loop3A_164 = arith.index_cast %parallel_loop3A_162 : i32 to index
        %parallel_loop3A_165 = arith.index_cast %parallel_loop3A_143 : i32 to index
        %parallel_loop3A_166 = tpu.vector_load %arg7[%parallel_loop3A_163, %parallel_loop3A_164, %parallel_loop3A_165] {strides = array<i32>} : memref<2x20x2048xf32, #tpu.memory_space<vmem>>, vector<16xf32>,
        tpu.vector_store %arg7[%parallel_loop3A_163, %parallel_loop3A_164, %parallel_loop3A_165], %parallel_loop3A_160 {strides = array<i32>} : memref<2x20x2048xf32, #tpu.memory_space<vmem>>, vector<16xf32>,
        %parallel_loop3A_167 = arith.constant 8 : i32
        %parallel_loop3A_168 = vector.broadcast %parallel_loop3A_167 : i32 to vector<16xi32>
        %parallel_loop3A_169 = arith.addi %parallel_loop3A_156, %parallel_loop3A_168 : vector<16xi32>
        %parallel_loop3A_170 = tpu.vector_load_idx %arg5[%parallel_loop3A_169] : memref<160xf32, #tpu.memory_space<vmem>>[vector<16xi32>], vector<16xf32>,
        %parallel_loop3A_171 = arith.constant 1 : i32
        %parallel_loop3A_172 = arith.constant 1 : i32
        %parallel_loop3A_173 = arith.index_cast %parallel_loop3A_171 : i32 to index
        %parallel_loop3A_174 = arith.index_cast %parallel_loop3A_172 : i32 to index
        %parallel_loop3A_175 = arith.index_cast %parallel_loop3A_143 : i32 to index
        %parallel_loop3A_176 = tpu.vector_load %arg7[%parallel_loop3A_173, %parallel_loop3A_174, %parallel_loop3A_175] {strides = array<i32>} : memref<2x20x2048xf32, #tpu.memory_space<vmem>>, vector<16xf32>,
        tpu.vector_store %arg7[%parallel_loop3A_173, %parallel_loop3A_174, %parallel_loop3A_175], %parallel_loop3A_170 {strides = array<i32>} : memref<2x20x2048xf32, #tpu.memory_space<vmem>>, vector<16xf32>,
        %parallel_loop3A_177 = arith.constant 16 : i32
        %parallel_loop3A_178 = vector.broadcast %parallel_loop3A_177 : i32 to vector<16xi32>
        %parallel_loop3A_179 = arith.addi %parallel_loop3A_156, %parallel_loop3A_178 : vector<16xi32>
        %parallel_loop3A_180 = tpu.vector_load_idx %arg5[%parallel_loop3A_179] : memref<160xf32, #tpu.memory_space<vmem>>[vector<16xi32>], vector<16xf32>,
        %parallel_loop3A_181 = arith.constant 1 : i32
        %parallel_loop3A_182 = arith.constant 2 : i32
        %parallel_loop3A_183 = arith.index_cast %parallel_loop3A_181 : i32 to index
        %parallel_loop3A_184 = arith.index_cast %parallel_loop3A_182 : i32 to index
        %parallel_loop3A_185 = arith.index_cast %parallel_loop3A_143 : i32 to index
        %parallel_loop3A_186 = tpu.vector_load %arg7[%parallel_loop3A_183, %parallel_loop3A_184, %parallel_loop3A_185] {strides = array<i32>} : memref<2x20x2048xf32, #tpu.memory_space<vmem>>, vector<16xf32>,
        tpu.vector_store %arg7[%parallel_loop3A_183, %parallel_loop3A_184, %parallel_loop3A_185], %parallel_loop3A_180 {strides = array<i32>} : memref<2x20x2048xf32, #tpu.memory_space<vmem>>, vector<16xf32>,
        %parallel_loop3A_187 = arith.constant 24 : i32
        %parallel_loop3A_188 = vector.broadcast %parallel_loop3A_187 : i32 to vector<16xi32>
        %parallel_loop3A_189 = arith.addi %parallel_loop3A_156, %parallel_loop3A_188 : vector<16xi32>
        %parallel_loop3A_190 = tpu.vector_load_idx %arg5[%parallel_loop3A_189] : memref<160xf32, #tpu.memory_space<vmem>>[vector<16xi32>], vector<16xf32>,
        %parallel_loop3A_191 = arith.constant 1 : i32
        %parallel_loop3A_192 = arith.constant 3 : i32
        %parallel_loop3A_193 = arith.index_cast %parallel_loop3A_191 : i32 to index
        %parallel_loop3A_194 = arith.index_cast %parallel_loop3A_192 : i32 to index
        %parallel_loop3A_195 = arith.index_cast %parallel_loop3A_143 : i32 to index
        %parallel_loop3A_196 = tpu.vector_load %arg7[%parallel_loop3A_193, %parallel_loop3A_194, %parallel_loop3A_195] {strides = array<i32>} : memref<2x20x2048xf32, #tpu.memory_space<vmem>>, vector<16xf32>,
        tpu.vector_store %arg7[%parallel_loop3A_193, %parallel_loop3A_194, %parallel_loop3A_195], %parallel_loop3A_190 {strides = array<i32>} : memref<2x20x2048xf32, #tpu.memory_space<vmem>>, vector<16xf32>,
        %parallel_loop3A_197 = arith.constant 32 : i32
        %parallel_loop3A_198 = vector.broadcast %parallel_loop3A_197 : i32 to vector<16xi32>
        %parallel_loop3A_199 = arith.addi %parallel_loop3A_156, %parallel_loop3A_198 : vector<16xi32>
        %parallel_loop3A_200 = tpu.vector_load_idx %arg5[%parallel_loop3A_199] : memref<160xf32, #tpu.memory_space<vmem>>[vector<16xi32>], vector<16xf32>,
        %parallel_loop3A_201 = arith.constant 1 : i32
        %parallel_loop3A_202 = arith.constant 4 : i32
        %parallel_loop3A_203 = arith.index_cast %parallel_loop3A_201 : i32 to index
        %parallel_loop3A_204 = arith.index_cast %parallel_loop3A_202 : i32 to index
        %parallel_loop3A_205 = arith.index_cast %parallel_loop3A_143 : i32 to index
        %parallel_loop3A_206 = tpu.vector_load %arg7[%parallel_loop3A_203, %parallel_loop3A_204, %parallel_loop3A_205] {strides = array<i32>} : memref<2x20x2048xf32, #tpu.memory_space<vmem>>, vector<16xf32>,
        tpu.vector_store %arg7[%parallel_loop3A_203, %parallel_loop3A_204, %parallel_loop3A_205], %parallel_loop3A_200 {strides = array<i32>} : memref<2x20x2048xf32, #tpu.memory_space<vmem>>, vector<16xf32>,
        %parallel_loop3A_207 = arith.constant 40 : i32
        %parallel_loop3A_208 = vector.broadcast %parallel_loop3A_207 : i32 to vector<16xi32>
        %parallel_loop3A_209 = arith.addi %parallel_loop3A_156, %parallel_loop3A_208 : vector<16xi32>
        %parallel_loop3A_210 = tpu.vector_load_idx %arg5[%parallel_loop3A_209] : memref<160xf32, #tpu.memory_space<vmem>>[vector<16xi32>], vector<16xf32>,
        %parallel_loop3A_211 = arith.constant 1 : i32
        %parallel_loop3A_212 = arith.constant 5 : i32
        %parallel_loop3A_213 = arith.index_cast %parallel_loop3A_211 : i32 to index
        %parallel_loop3A_214 = arith.index_cast %parallel_loop3A_212 : i32 to index
        %parallel_loop3A_215 = arith.index_cast %parallel_loop3A_143 : i32 to index
        %parallel_loop3A_216 = tpu.vector_load %arg7[%parallel_loop3A_213, %parallel_loop3A_214, %parallel_loop3A_215] {strides = array<i32>} : memref<2x20x2048xf32, #tpu.memory_space<vmem>>, vector<16xf32>,
        tpu.vector_store %arg7[%parallel_loop3A_213, %parallel_loop3A_214, %parallel_loop3A_215], %parallel_loop3A_210 {strides = array<i32>} : memref<2x20x2048xf32, #tpu.memory_space<vmem>>, vector<16xf32>,
        %parallel_loop3A_217 = arith.constant 48 : i32
        %parallel_loop3A_218 = vector.broadcast %parallel_loop3A_217 : i32 to vector<16xi32>
        %parallel_loop3A_219 = arith.addi %parallel_loop3A_156, %parallel_loop3A_218 : vector<16xi32>
        %parallel_loop3A_220 = tpu.vector_load_idx %arg5[%parallel_loop3A_219] : memref<160xf32, #tpu.memory_space<vmem>>[vector<16xi32>], vector<16xf32>,
        %parallel_loop3A_221 = arith.constant 1 : i32
        %parallel_loop3A_222 = arith.constant 6 : i32
        %parallel_loop3A_223 = arith.index_cast %parallel_loop3A_221 : i32 to index
        %parallel_loop3A_224 = arith.index_cast %parallel_loop3A_222 : i32 to index
        %parallel_loop3A_225 = arith.index_cast %parallel_loop3A_143 : i32 to index
        %parallel_loop3A_226 = tpu.vector_load %arg7[%parallel_loop3A_223, %parallel_loop3A_224, %parallel_loop3A_225] {strides = array<i32>} : memref<2x20x2048xf32, #tpu.memory_space<vmem>>, vector<16xf32>,
        tpu.vector_store %arg7[%parallel_loop3A_223, %parallel_loop3A_224, %parallel_loop3A_225], %parallel_loop3A_220 {strides = array<i32>} : memref<2x20x2048xf32, #tpu.memory_space<vmem>>, vector<16xf32>,
        %parallel_loop3A_227 = arith.constant 56 : i32
        %parallel_loop3A_228 = vector.broadcast %parallel_loop3A_227 : i32 to vector<16xi32>
        %parallel_loop3A_229 = arith.addi %parallel_loop3A_156, %parallel_loop3A_228 : vector<16xi32>
        %parallel_loop3A_230 = tpu.vector_load_idx %arg5[%parallel_loop3A_229] : memref<160xf32, #tpu.memory_space<vmem>>[vector<16xi32>], vector<16xf32>,
        %parallel_loop3A_231 = arith.constant 1 : i32
        %parallel_loop3A_232 = arith.constant 7 : i32
        %parallel_loop3A_233 = arith.index_cast %parallel_loop3A_231 : i32 to index
        %parallel_loop3A_234 = arith.index_cast %parallel_loop3A_232 : i32 to index
        %parallel_loop3A_235 = arith.index_cast %parallel_loop3A_143 : i32 to index
        %parallel_loop3A_236 = tpu.vector_load %arg7[%parallel_loop3A_233, %parallel_loop3A_234, %parallel_loop3A_235] {strides = array<i32>} : memref<2x20x2048xf32, #tpu.memory_space<vmem>>, vector<16xf32>,
        tpu.vector_store %arg7[%parallel_loop3A_233, %parallel_loop3A_234, %parallel_loop3A_235], %parallel_loop3A_230 {strides = array<i32>} : memref<2x20x2048xf32, #tpu.memory_space<vmem>>, vector<16xf32>,
        %parallel_loop3A_237 = arith.constant 64 : i32
        %parallel_loop3A_238 = vector.broadcast %parallel_loop3A_237 : i32 to vector<16xi32>
        %parallel_loop3A_239 = arith.addi %parallel_loop3A_156, %parallel_loop3A_238 : vector<16xi32>
        %parallel_loop3A_240 = tpu.vector_load_idx %arg5[%parallel_loop3A_239] : memref<160xf32, #tpu.memory_space<vmem>>[vector<16xi32>], vector<16xf32>,
        %parallel_loop3A_241 = arith.constant 1 : i32
        %parallel_loop3A_242 = arith.constant 8 : i32
        %parallel_loop3A_243 = arith.index_cast %parallel_loop3A_241 : i32 to index
        %parallel_loop3A_244 = arith.index_cast %parallel_loop3A_242 : i32 to index
        %parallel_loop3A_245 = arith.index_cast %parallel_loop3A_143 : i32 to index
        %parallel_loop3A_246 = tpu.vector_load %arg7[%parallel_loop3A_243, %parallel_loop3A_244, %parallel_loop3A_245] {strides = array<i32>} : memref<2x20x2048xf32, #tpu.memory_space<vmem>>, vector<16xf32>,
        tpu.vector_store %arg7[%parallel_loop3A_243, %parallel_loop3A_244, %parallel_loop3A_245], %parallel_loop3A_240 {strides = array<i32>} : memref<2x20x2048xf32, #tpu.memory_space<vmem>>, vector<16xf32>,
        %parallel_loop3A_247 = arith.constant 72 : i32
        %parallel_loop3A_248 = vector.broadcast %parallel_loop3A_247 : i32 to vector<16xi32>
        %parallel_loop3A_249 = arith.addi %parallel_loop3A_156, %parallel_loop3A_248 : vector<16xi32>
        %parallel_loop3A_250 = tpu.vector_load_idx %arg5[%parallel_loop3A_249] : memref<160xf32, #tpu.memory_space<vmem>>[vector<16xi32>], vector<16xf32>,
        %parallel_loop3A_251 = arith.constant 1 : i32
        %parallel_loop3A_252 = arith.constant 9 : i32
        %parallel_loop3A_253 = arith.index_cast %parallel_loop3A_251 : i32 to index
        %parallel_loop3A_254 = arith.index_cast %parallel_loop3A_252 : i32 to index
        %parallel_loop3A_255 = arith.index_cast %parallel_loop3A_143 : i32 to index
        %parallel_loop3A_256 = tpu.vector_load %arg7[%parallel_loop3A_253, %parallel_loop3A_254, %parallel_loop3A_255] {strides = array<i32>} : memref<2x20x2048xf32, #tpu.memory_space<vmem>>, vector<16xf32>,
        tpu.vector_store %arg7[%parallel_loop3A_253, %parallel_loop3A_254, %parallel_loop3A_255], %parallel_loop3A_250 {strides = array<i32>} : memref<2x20x2048xf32, #tpu.memory_space<vmem>>, vector<16xf32>,
        %parallel_loop3A_257 = arith.constant 80 : i32
        %parallel_loop3A_258 = vector.broadcast %parallel_loop3A_257 : i32 to vector<16xi32>
        %parallel_loop3A_259 = arith.addi %parallel_loop3A_156, %parallel_loop3A_258 : vector<16xi32>
        %parallel_loop3A_260 = tpu.vector_load_idx %arg5[%parallel_loop3A_259] : memref<160xf32, #tpu.memory_space<vmem>>[vector<16xi32>], vector<16xf32>,
        %parallel_loop3A_261 = arith.constant 1 : i32
        %parallel_loop3A_262 = arith.constant 10 : i32
        %parallel_loop3A_263 = arith.index_cast %parallel_loop3A_261 : i32 to index
        %parallel_loop3A_264 = arith.index_cast %parallel_loop3A_262 : i32 to index
        %parallel_loop3A_265 = arith.index_cast %parallel_loop3A_143 : i32 to index
        %parallel_loop3A_266 = tpu.vector_load %arg7[%parallel_loop3A_263, %parallel_loop3A_264, %parallel_loop3A_265] {strides = array<i32>} : memref<2x20x2048xf32, #tpu.memory_space<vmem>>, vector<16xf32>,
        tpu.vector_store %arg7[%parallel_loop3A_263, %parallel_loop3A_264, %parallel_loop3A_265], %parallel_loop3A_260 {strides = array<i32>} : memref<2x20x2048xf32, #tpu.memory_space<vmem>>, vector<16xf32>,
        %parallel_loop3A_267 = arith.constant 88 : i32
        %parallel_loop3A_268 = vector.broadcast %parallel_loop3A_267 : i32 to vector<16xi32>
        %parallel_loop3A_269 = arith.addi %parallel_loop3A_156, %parallel_loop3A_268 : vector<16xi32>
        %parallel_loop3A_270 = tpu.vector_load_idx %arg5[%parallel_loop3A_269] : memref<160xf32, #tpu.memory_space<vmem>>[vector<16xi32>], vector<16xf32>,
        %parallel_loop3A_271 = arith.constant 1 : i32
        %parallel_loop3A_272 = arith.constant 11 : i32
        %parallel_loop3A_273 = arith.index_cast %parallel_loop3A_271 : i32 to index
        %parallel_loop3A_274 = arith.index_cast %parallel_loop3A_272 : i32 to index
        %parallel_loop3A_275 = arith.index_cast %parallel_loop3A_143 : i32 to index
        %parallel_loop3A_276 = tpu.vector_load %arg7[%parallel_loop3A_273, %parallel_loop3A_274, %parallel_loop3A_275] {strides = array<i32>} : memref<2x20x2048xf32, #tpu.memory_space<vmem>>, vector<16xf32>,
        tpu.vector_store %arg7[%parallel_loop3A_273, %parallel_loop3A_274, %parallel_loop3A_275], %parallel_loop3A_270 {strides = array<i32>} : memref<2x20x2048xf32, #tpu.memory_space<vmem>>, vector<16xf32>,
        %parallel_loop3A_277 = arith.constant 96 : i32
        %parallel_loop3A_278 = vector.broadcast %parallel_loop3A_277 : i32 to vector<16xi32>
        %parallel_loop3A_279 = arith.addi %parallel_loop3A_156, %parallel_loop3A_278 : vector<16xi32>
        %parallel_loop3A_280 = tpu.vector_load_idx %arg5[%parallel_loop3A_279] : memref<160xf32, #tpu.memory_space<vmem>>[vector<16xi32>], vector<16xf32>,
        %parallel_loop3A_281 = arith.constant 1 : i32
        %parallel_loop3A_282 = arith.constant 12 : i32
        %parallel_loop3A_283 = arith.index_cast %parallel_loop3A_281 : i32 to index
        %parallel_loop3A_284 = arith.index_cast %parallel_loop3A_282 : i32 to index
        %parallel_loop3A_285 = arith.index_cast %parallel_loop3A_143 : i32 to index
        %parallel_loop3A_286 = tpu.vector_load %arg7[%parallel_loop3A_283, %parallel_loop3A_284, %parallel_loop3A_285] {strides = array<i32>} : memref<2x20x2048xf32, #tpu.memory_space<vmem>>, vector<16xf32>,
        tpu.vector_store %arg7[%parallel_loop3A_283, %parallel_loop3A_284, %parallel_loop3A_285], %parallel_loop3A_280 {strides = array<i32>} : memref<2x20x2048xf32, #tpu.memory_space<vmem>>, vector<16xf32>,
        %parallel_loop3A_287 = arith.constant 104 : i32
        %parallel_loop3A_288 = vector.broadcast %parallel_loop3A_287 : i32 to vector<16xi32>
        %parallel_loop3A_289 = arith.addi %parallel_loop3A_156, %parallel_loop3A_288 : vector<16xi32>
        %parallel_loop3A_290 = tpu.vector_load_idx %arg5[%parallel_loop3A_289] : memref<160xf32, #tpu.memory_space<vmem>>[vector<16xi32>], vector<16xf32>,
        %parallel_loop3A_291 = arith.constant 1 : i32
        %parallel_loop3A_292 = arith.constant 13 : i32
        %parallel_loop3A_293 = arith.index_cast %parallel_loop3A_291 : i32 to index
        %parallel_loop3A_294 = arith.index_cast %parallel_loop3A_292 : i32 to index
        %parallel_loop3A_295 = arith.index_cast %parallel_loop3A_143 : i32 to index
        %parallel_loop3A_296 = tpu.vector_load %arg7[%parallel_loop3A_293, %parallel_loop3A_294, %parallel_loop3A_295] {strides = array<i32>} : memref<2x20x2048xf32, #tpu.memory_space<vmem>>, vector<16xf32>,
        tpu.vector_store %arg7[%parallel_loop3A_293, %parallel_loop3A_294, %parallel_loop3A_295], %parallel_loop3A_290 {strides = array<i32>} : memref<2x20x2048xf32, #tpu.memory_space<vmem>>, vector<16xf32>,
        %parallel_loop3A_297 = arith.constant 112 : i32
        %parallel_loop3A_298 = vector.broadcast %parallel_loop3A_297 : i32 to vector<16xi32>
        %parallel_loop3A_299 = arith.addi %parallel_loop3A_156, %parallel_loop3A_298 : vector<16xi32>
        %parallel_loop3A_300 = tpu.vector_load_idx %arg5[%parallel_loop3A_299] : memref<160xf32, #tpu.memory_space<vmem>>[vector<16xi32>], vector<16xf32>,
        %parallel_loop3A_301 = arith.constant 1 : i32
        %parallel_loop3A_302 = arith.constant 14 : i32
        %parallel_loop3A_303 = arith.index_cast %parallel_loop3A_301 : i32 to index
        %parallel_loop3A_304 = arith.index_cast %parallel_loop3A_302 : i32 to index
        %parallel_loop3A_305 = arith.index_cast %parallel_loop3A_143 : i32 to index
        %parallel_loop3A_306 = tpu.vector_load %arg7[%parallel_loop3A_303, %parallel_loop3A_304, %parallel_loop3A_305] {strides = array<i32>} : memref<2x20x2048xf32, #tpu.memory_space<vmem>>, vector<16xf32>,
        tpu.vector_store %arg7[%parallel_loop3A_303, %parallel_loop3A_304, %parallel_loop3A_305], %parallel_loop3A_300 {strides = array<i32>} : memref<2x20x2048xf32, #tpu.memory_space<vmem>>, vector<16xf32>,
        %parallel_loop3A_307 = arith.constant 120 : i32
        %parallel_loop3A_308 = vector.broadcast %parallel_loop3A_307 : i32 to vector<16xi32>
        %parallel_loop3A_309 = arith.addi %parallel_loop3A_156, %parallel_loop3A_308 : vector<16xi32>
        %parallel_loop3A_310 = tpu.vector_load_idx %arg5[%parallel_loop3A_309] : memref<160xf32, #tpu.memory_space<vmem>>[vector<16xi32>], vector<16xf32>,
        %parallel_loop3A_311 = arith.constant 1 : i32
        %parallel_loop3A_312 = arith.constant 15 : i32
        %parallel_loop3A_313 = arith.index_cast %parallel_loop3A_311 : i32 to index
        %parallel_loop3A_314 = arith.index_cast %parallel_loop3A_312 : i32 to index
        %parallel_loop3A_315 = arith.index_cast %parallel_loop3A_143 : i32 to index
        %parallel_loop3A_316 = tpu.vector_load %arg7[%parallel_loop3A_313, %parallel_loop3A_314, %parallel_loop3A_315] {strides = array<i32>} : memref<2x20x2048xf32, #tpu.memory_space<vmem>>, vector<16xf32>,
        tpu.vector_store %arg7[%parallel_loop3A_313, %parallel_loop3A_314, %parallel_loop3A_315], %parallel_loop3A_310 {strides = array<i32>} : memref<2x20x2048xf32, #tpu.memory_space<vmem>>, vector<16xf32>,
        %parallel_loop3A_317 = arith.constant 128 : i32
        %parallel_loop3A_318 = vector.broadcast %parallel_loop3A_317 : i32 to vector<16xi32>
        %parallel_loop3A_319 = arith.addi %parallel_loop3A_156, %parallel_loop3A_318 : vector<16xi32>
        %parallel_loop3A_320 = tpu.vector_load_idx %arg5[%parallel_loop3A_319] : memref<160xf32, #tpu.memory_space<vmem>>[vector<16xi32>], vector<16xf32>,
        %parallel_loop3A_321 = arith.constant 1 : i32
        %parallel_loop3A_322 = arith.constant 16 : i32
        %parallel_loop3A_323 = arith.index_cast %parallel_loop3A_321 : i32 to index
        %parallel_loop3A_324 = arith.index_cast %parallel_loop3A_322 : i32 to index
        %parallel_loop3A_325 = arith.index_cast %parallel_loop3A_143 : i32 to index
        %parallel_loop3A_326 = tpu.vector_load %arg7[%parallel_loop3A_323, %parallel_loop3A_324, %parallel_loop3A_325] {strides = array<i32>} : memref<2x20x2048xf32, #tpu.memory_space<vmem>>, vector<16xf32>,
        tpu.vector_store %arg7[%parallel_loop3A_323, %parallel_loop3A_324, %parallel_loop3A_325], %parallel_loop3A_320 {strides = array<i32>} : memref<2x20x2048xf32, #tpu.memory_space<vmem>>, vector<16xf32>,
        %parallel_loop3A_327 = arith.constant 136 : i32
        %parallel_loop3A_328 = vector.broadcast %parallel_loop3A_327 : i32 to vector<16xi32>
        %parallel_loop3A_329 = arith.addi %parallel_loop3A_156, %parallel_loop3A_328 : vector<16xi32>
        %parallel_loop3A_330 = tpu.vector_load_idx %arg5[%parallel_loop3A_329] : memref<160xf32, #tpu.memory_space<vmem>>[vector<16xi32>], vector<16xf32>,
        %parallel_loop3A_331 = arith.constant 1 : i32
        %parallel_loop3A_332 = arith.constant 17 : i32
        %parallel_loop3A_333 = arith.index_cast %parallel_loop3A_331 : i32 to index
        %parallel_loop3A_334 = arith.index_cast %parallel_loop3A_332 : i32 to index
        %parallel_loop3A_335 = arith.index_cast %parallel_loop3A_143 : i32 to index
        %parallel_loop3A_336 = tpu.vector_load %arg7[%parallel_loop3A_333, %parallel_loop3A_334, %parallel_loop3A_335] {strides = array<i32>} : memref<2x20x2048xf32, #tpu.memory_space<vmem>>, vector<16xf32>,
        tpu.vector_store %arg7[%parallel_loop3A_333, %parallel_loop3A_334, %parallel_loop3A_335], %parallel_loop3A_330 {strides = array<i32>} : memref<2x20x2048xf32, #tpu.memory_space<vmem>>, vector<16xf32>,
        %parallel_loop3A_337 = arith.constant 144 : i32
        %parallel_loop3A_338 = vector.broadcast %parallel_loop3A_337 : i32 to vector<16xi32>
        %parallel_loop3A_339 = arith.addi %parallel_loop3A_156, %parallel_loop3A_338 : vector<16xi32>
        %parallel_loop3A_340 = tpu.vector_load_idx %arg5[%parallel_loop3A_339] : memref<160xf32, #tpu.memory_space<vmem>>[vector<16xi32>], vector<16xf32>,
        %parallel_loop3A_341 = arith.constant 1 : i32
        %parallel_loop3A_342 = arith.constant 18 : i32
        %parallel_loop3A_343 = arith.index_cast %parallel_loop3A_341 : i32 to index
        %parallel_loop3A_344 = arith.index_cast %parallel_loop3A_342 : i32 to index
        %parallel_loop3A_345 = arith.index_cast %parallel_loop3A_143 : i32 to index
        %parallel_loop3A_346 = tpu.vector_load %arg7[%parallel_loop3A_343, %parallel_loop3A_344, %parallel_loop3A_345] {strides = array<i32>} : memref<2x20x2048xf32, #tpu.memory_space<vmem>>, vector<16xf32>,
        tpu.vector_store %arg7[%parallel_loop3A_343, %parallel_loop3A_344, %parallel_loop3A_345], %parallel_loop3A_340 {strides = array<i32>} : memref<2x20x2048xf32, #tpu.memory_space<vmem>>, vector<16xf32>,
        %parallel_loop3A_347 = arith.constant 152 : i32
        %parallel_loop3A_348 = vector.broadcast %parallel_loop3A_347 : i32 to vector<16xi32>
        %parallel_loop3A_349 = arith.addi %parallel_loop3A_156, %parallel_loop3A_348 : vector<16xi32>
        %parallel_loop3A_350 = tpu.vector_load_idx %arg5[%parallel_loop3A_349] : memref<160xf32, #tpu.memory_space<vmem>>[vector<16xi32>], vector<16xf32>,
        %parallel_loop3A_351 = arith.constant 1 : i32
        %parallel_loop3A_352 = arith.constant 19 : i32
        %parallel_loop3A_353 = arith.index_cast %parallel_loop3A_351 : i32 to index
        %parallel_loop3A_354 = arith.index_cast %parallel_loop3A_352 : i32 to index
        %parallel_loop3A_355 = arith.index_cast %parallel_loop3A_143 : i32 to index
        %parallel_loop3A_356 = tpu.vector_load %arg7[%parallel_loop3A_353, %parallel_loop3A_354, %parallel_loop3A_355] {strides = array<i32>} : memref<2x20x2048xf32, #tpu.memory_space<vmem>>, vector<16xf32>,
        tpu.vector_store %arg7[%parallel_loop3A_353, %parallel_loop3A_354, %parallel_loop3A_355], %parallel_loop3A_350 {strides = array<i32>} : memref<2x20x2048xf32, #tpu.memory_space<vmem>>, vector<16xf32>,
      } {sc.loop_unroll_factor = 2 : i64, sc.parallel_access}
      %dma_start3A_122 = arith.constant 1 : i32
      %dma_start3A_123 = arith.constant 0 : i32
      %dma_start3A_124 = arith.constant 0 : i32
      %dma_start3A_125 = tpu.memref_slice %arg7[%dma_start3A_122, %dma_start3A_123, %dma_start3A_124] : memref<2x20x2048xf32, #tpu.memory_space<vmem>> -> memref<1x20x2048xf32, #tpu.memory_space<vmem>>
      %dma_start3A_126 = tpu.memref_squeeze %dma_start3A_125 : memref<1x20x2048xf32, #tpu.memory_space<vmem>> -> memref<20x2048xf32, #tpu.memory_space<vmem>>
      %dma_start3A_127 = arith.constant 0 : i32
      %dma_start3A_128 = tpu.memref_slice %arg4[%dma_start3A_127, %add3A_104] : memref<20x3276800xf32, #tpu.memory_space<hbm>> -> memref<20x2048xf32, #tpu.memory_space<hbm>>
      %dma_start3A_129 = arith.constant 0 : i32
      %dma_start3A_130 = tpu.memref_slice %arg4[%dma_start3A_129, %add3A_104] : memref<20x3276800xf32, #tpu.memory_space<hbm>> -> memref<20x2048xf32, #tpu.memory_space<hbm>>
      %dma_start3A_131 = arith.constant 0 : i32
      %dma_start3A_132 = arith.constant 0 : i32
      %dma_start3A_133 = tpu.memref_slice %arg7[%dma_start3A_122, %dma_start3A_131, %dma_start3A_132] : memref<2x20x2048xf32, #tpu.memory_space<vmem>> -> memref<1x20x2048xf32, #tpu.memory_space<vmem>>
      %dma_start3A_134 = tpu.memref_squeeze %dma_start3A_133 : memref<1x20x2048xf32, #tpu.memory_space<vmem>> -> memref<20x2048xf32, #tpu.memory_space<vmem>>
      tpu.enqueue_dma source(%dma_start3A_134 : memref<20x2048xf32, #tpu.memory_space<vmem>>) target(%dma_start3A_130 : memref<20x2048xf32, #tpu.memory_space<hbm>>) target_semaphore(%arg11 : memref<!tpu.dma_semaphore, #tpu.memory_space<semaphore_mem>>)
      %lt3A_135 = arith.constant 24 : i32
      %lt3A_136 = arith.cmpi slt, %scan3A_59, %lt3A_135 : i32
      %convert_element_type3A_137 = arith.extui %lt3A_136 : i1 to i32
      %cond3A_138 = arith.constant 0 : i32
      %cond3A_139 = arith.cmpi ne, %convert_element_type3A_137, %cond3A_138 : i32
      scf.if %cond3A_139 {
        %add3A_141 = arith.constant 4096 : i32
        %add3A_142 = arith.addi %add3A_104, %add3A_141 : i32
        %dma_start3A_143 = arith.constant 1 : i32
        %dma_start3A_144 = arith.constant 0 : i32
        %dma_start3A_145 = tpu.memref_slice %arg6[%dma_start3A_143, %dma_start3A_144] : memref<2x2048xi32, #tpu.memory_space<vmem>> -> memref<1x2048xi32, #tpu.memory_space<vmem>>
        %dma_start3A_146 = tpu.memref_squeeze %dma_start3A_145 : memref<1x2048xi32, #tpu.memory_space<vmem>> -> memref<2048xi32, #tpu.memory_space<vmem>>
        %dma_start3A_147 = tpu.memref_slice %arg2[%add3A_142] : memref<3276800xi32, #tpu.memory_space<hbm>> -> memref<2048xi32, #tpu.memory_space<hbm>>
        %dma_start3A_148 = arith.constant 0 : i32
        %dma_start3A_149 = tpu.memref_slice %arg6[%dma_start3A_143, %dma_start3A_148] : memref<2x2048xi32, #tpu.memory_space<vmem>> -> memref<1x2048xi32, #tpu.memory_space<vmem>>
        %dma_start3A_150 = tpu.memref_squeeze %dma_start3A_149 : memref<1x2048xi32, #tpu.memory_space<vmem>> -> memref<2048xi32, #tpu.memory_space<vmem>>
        %dma_start3A_151 = tpu.memref_slice %arg2[%add3A_142] : memref<3276800xi32, #tpu.memory_space<hbm>> -> memref<2048xi32, #tpu.memory_space<hbm>>
        tpu.enqueue_dma source(%dma_start3A_151 : memref<2048xi32, #tpu.memory_space<hbm>>) target(%dma_start3A_150 : memref<2048xi32, #tpu.memory_space<vmem>>) target_semaphore(%arg9 : memref<!tpu.dma_semaphore, #tpu.memory_space<semaphore_mem>>)
      } else {
      }
      %scan3A_140 = arith.constant 0 : i32
      scf.yield %scan3A_140 : i32
    }
    %scan3A_29 = arith.constant 25 : i32
    %add3A_30 = arith.constant 98304 : i32
    %add3A_31 = arith.addi %mul3A_2, %add3A_30 : i32
    %dma_wait3A = arith.constant 0 : i32
    %dma_wait3A_32 = arith.constant 0 : i32
    %dma_wait3A_33 = arith.constant 0 : i32
    %dma_wait3A_34 = tpu.memref_slice %arg7[%dma_wait3A, %dma_wait3A_32, %dma_wait3A_33] : memref<2x20x2048xf32, #tpu.memory_space<vmem>> -> memref<1x20x2048xf32, #tpu.memory_space<vmem>>
    %dma_wait3A_35 = tpu.memref_squeeze %dma_wait3A_34 : memref<1x20x2048xf32, #tpu.memory_space<vmem>> -> memref<20x2048xf32, #tpu.memory_space<vmem>>
    %dma_wait3A_36 = arith.constant 0 : i32
    %dma_wait3A_37 = tpu.memref_slice %arg4[%dma_wait3A_36, %add3A_31] : memref<20x3276800xf32, #tpu.memory_space<hbm>> -> memref<20x2048xf32, #tpu.memory_space<hbm>>
    %dma_wait3A_38 = arith.constant 0 : i32
    %dma_wait3A_39 = tpu.memref_slice %arg4[%dma_wait3A_38, %add3A_31] : memref<20x3276800xf32, #tpu.memory_space<hbm>> -> memref<20x2048xf32, #tpu.memory_space<hbm>>
    %dma_wait3A_40 = arith.constant 0 : i32
    %dma_wait3A_41 = arith.constant 0 : i32
    %dma_wait3A_42 = tpu.memref_slice %arg7[%dma_wait3A, %dma_wait3A_40, %dma_wait3A_41] : memref<2x20x2048xf32, #tpu.memory_space<vmem>> -> memref<1x20x2048xf32, #tpu.memory_space<vmem>>
    %dma_wait3A_43 = tpu.memref_squeeze %dma_wait3A_42 : memref<1x20x2048xf32, #tpu.memory_space<vmem>> -> memref<20x2048xf32, #tpu.memory_space<vmem>>
    tpu.wait_dma2 semaphore(%arg10 : memref<!tpu.dma_semaphore, #tpu.memory_space<semaphore_mem>>) src(%dma_wait3A_43 : memref<20x2048xf32, #tpu.memory_space<vmem>>) dst(%dma_wait3A_39 : memref<20x2048xf32, #tpu.memory_space<hbm>>)
    %add3A_44 = arith.constant 100352 : i32
    %add3A_45 = arith.addi %mul3A_2, %add3A_44 : i32
    %dma_wait3A_46 = arith.constant 1 : i32
    %dma_wait3A_47 = arith.constant 0 : i32
    %dma_wait3A_48 = arith.constant 0 : i32
    %dma_wait3A_49 = tpu.memref_slice %arg7[%dma_wait3A_46, %dma_wait3A_47, %dma_wait3A_48] : memref<2x20x2048xf32, #tpu.memory_space<vmem>> -> memref<1x20x2048xf32, #tpu.memory_space<vmem>>
    %dma_wait3A_50 = tpu.memref_squeeze %dma_wait3A_49 : memref<1x20x2048xf32, #tpu.memory_space<vmem>> -> memref<20x2048xf32, #tpu.memory_space<vmem>>
    %dma_wait3A_51 = arith.constant 0 : i32
    %dma_wait3A_52 = tpu.memref_slice %arg4[%dma_wait3A_51, %add3A_45] : memref<20x3276800xf32, #tpu.memory_space<hbm>> -> memref<20x2048xf32, #tpu.memory_space<hbm>>
    %dma_wait3A_53 = arith.constant 0 : i32
    %dma_wait3A_54 = tpu.memref_slice %arg4[%dma_wait3A_53, %add3A_45] : memref<20x3276800xf32, #tpu.memory_space<hbm>> -> memref<20x2048xf32, #tpu.memory_space<hbm>>
    %dma_wait3A_55 = arith.constant 0 : i32
    %dma_wait3A_56 = arith.constant 0 : i32
    %dma_wait3A_57 = tpu.memref_slice %arg7[%dma_wait3A_46, %dma_wait3A_55, %dma_wait3A_56] : memref<2x20x2048xf32, #tpu.memory_space<vmem>> -> memref<1x20x2048xf32, #tpu.memory_space<vmem>>
    %dma_wait3A_58 = tpu.memref_squeeze %dma_wait3A_57 : memref<1x20x2048xf32, #tpu.memory_space<vmem>> -> memref<20x2048xf32, #tpu.memory_space<vmem>>
    tpu.wait_dma2 semaphore(%arg11 : memref<!tpu.dma_semaphore, #tpu.memory_space<semaphore_mem>>) src(%dma_wait3A_58 : memref<20x2048xf32, #tpu.memory_space<vmem>>) dst(%dma_wait3A_54 : memref<20x2048xf32, #tpu.memory_space<hbm>>)
    return
  }
}

</mosaic_0001>

<sc_bundles>
// kernel: kernel.3.cloned.1.call-start
scs
__scs_entry_jumppad:
0x0: {  	(pc) =	sbr.rel $0x88, $3  }
0x1: {  	(tag) =	ssettag $0x0;
	lr =	simm.s32 $0x1  }
0x2: {  	[smem:$0x3F9F] =	sst lr;
	_ =	strace $0xD0000000  }
0x3: {  	_ = 	snop  }
0x4: {  	_ = 	snop  }
0x5: {  	_ = 	snop  }
0x6: {  	_ = 	snop  }
0x7: {  	_ = 	snop  }
__scs_overlays_trampoline_lowered:
0x8: {  	[smem:$0x3FAE] =	sst s0  }
0x9: {  	[smem:$0x3FAF] =	sst s1  }
0xa: {  	[smem:$0x3FB0] =	sst s2  }
0xb: {  	[smem:$0x3FB1] =	sst s3  }
0xc: {  	[smem:$0x3FB2] =	sst s4  }
0xd: {  	[smem:$0x3FB3] =	sst s5  }
0xe: {  	[smem:$0x3FB4] =	sst s6  }
0xf: {  	[smem:$0x3FB5] =	sst s7  }
0x10: {  	[smem:$0x3FB6] =	sst s8  }
0x11: {  	[smem:$0x3FB7] =	sst s9;
	s0 =	simm.s32 @!p0 $0x0  }
0x12: {  	s1 =	sld [smem:$0x3F9D];
	s0 =	simm.s32 @p0 $0x1  }
0x13: {  	[smem:$0x3FB8] =	sst s0;
	s0 =	simm.s32 @!p1 $0x0  }
0x14: {  	s2 =	sld [smem:$0x3F9C];
	s0 =	simm.s32 @p1 $0x1  }
0x15: {  	[smem:$0x3FB9] =	sst s0;
	s0 =	simm.s32 @!p2 $0x0  }
0x16: {  	s3 =	sld [smem:$0x3FDB];
	s0 =	simm.s32 @p2 $0x1  }
0x17: {  	s4 =	simm.s32 $0x1BF5;
	[smem:$0x3FBB] =	sst s0  }
0x18: {  	s0 =	sld [smem:$0x3F9E];
	_ =	swait.ge [sflag:s4], $0x0  }
0x19: {  	s7 =	sld [smem:$0x3F9F]  }
0x1a: {  	s8 =	sadd.s32 $0xFFFFE003, lr  }
0x1b: {  	s9 =	sadd.s32 $0xFFFFFEF7, lr;
	s5 =	simm.s32 $0xFFFFFFFF;
	p2 =	slt.u32 s8, $0xFFFFF086  }
0x1c: {  	p1 =	slt.u32 s9, $0xF7A;
	s5 =	simm.s32 @!p2 $0x0  }
0x1d: {  	s5 =	simm.s32 @p1 $0x1;
	p0 =	seq.s32 s7, s2  }
0x1e: {  	s7 =	smul.u32 @!p0 $0xF7A, s2;
	p2 =	seq.s32 @!p0 s5, $0x0  }
0x1f: {  	s9 =	smul.u32 $0xF7A, s1;
	s8 =	simm.s32 @!p0 $0x1BF5;
	p2 =	por !p2, p0  }
0x20: {  	[sflag:s8] =	ssyncset.s32 @!p0 $0xFFFFF086;
	s6 =	sadd.s32 @!p0 s3, s7;
	s7 =	simm.s32 @!p0 $0x108  }
0x21: {  	s3 =	sadd.s32 s3, s9;
	s6 =	sadd.s32 @!p0 $0x88, s6;
	s7 =	simm.s32 @p2 $0x1082  }
0x22: {  	[simem:s7], [sflag:s8] =	dma.local @!p0 [hbm:s6], $0xF7A  }
0x23: {  	s9 =	sor.u32 $0xD0000000, s2;
	s6 =	simm.s32 $0x108;
	_ =	swait.ge @!p0 [sflag:s8], $0x0  }
0x24: {  	s3 =	sadd.s32 $0x88, s3;
	s6 =	simm.s32 @!p1 $0x1082;
	[sflag:s4] =	ssyncset.s32 $0xFFFFF086  }
0x25: {  	[simem:s6], [sflag:s4] =	dma.local [hbm:s3], $0xF7A  }
0x26: {  	[smem:$0x3F9F] =	sst s1;
	(tag) =	ssettag s2;
	_ =	strace s9  }
0x27: {  	s1 =	sld [smem:$0x3FAF]  }
0x28: {  	s2 =	sld [smem:$0x3FB0]  }
0x29: {  	s4 =	sld [smem:$0x3FB2]  }
0x2a: {  	p0 =	seq.s32 s5, $0x0;
	s5 =	sld [smem:$0x3FB3]  }
0x2b: {  	s6 =	sld [smem:$0x3FB4]  }
0x2c: {  	s7 =	sld [smem:$0x3FB5]  }
0x2d: {  	s3 =	simm.s32 $0x108;
	s8 =	sld [smem:$0x3FB6]  }
0x2e: {  	s3 =	simm.s32 @!p0 $0x1082;
	s9 =	sld [smem:$0x3FB7]  }
0x2f: {  	lr =	sadd.s32 s0, s3;
	s0 =	sld [smem:$0x3FAE]  }
0x30: {  	s3 =	sld [smem:$0x3FB1]  }
0x31: {  	[smem:$0x3FBA] =	sst s10  }
0x32: {  	s10 =	sld [smem:$0x3FB8];
	_ =	sdelay $0x3  }
0x33: {  	p0 =	seq.s32 s10, $0x1;
	s10 =	sld [smem:$0x3FBA];
	_ =	sdelay $0x3  }
0x34: {  	[smem:$0x3FBA] =	sst s10  }
0x35: {  	s10 =	sld [smem:$0x3FB9];
	_ =	sdelay $0x3  }
0x36: {  	p1 =	seq.s32 s10, $0x1;
	s10 =	sld [smem:$0x3FBA];
	_ =	sdelay $0x3  }
0x37: {  	[smem:$0x3FBA] =	sst s10  }
0x38: {  	s10 =	sld [smem:$0x3FBB]  }
0x39: {  	_ = 	snop;
	(pc) =	sbr.ind lr, $3  }
0x3a: {  	_ = 	snop  }
0x3b: {  	_ = 	snop  }
0x3c: {  	p2 =	seq.s32 s10, $0x1;
	s10 =	sld [smem:$0x3FBA]  }
0x3d: {  	_ =	shalt  }
0x3e: {  	_ =	shalt  }
0x3f: {  	_ =	shalt  }
0x40: {  	_ =	shalt  }
0x41: {  	_ =	shalt  }
0x42: {  	_ =	shalt  }
0x43: {  	_ =	shalt  }
0x44: {  	_ =	shalt  }
0x45: {  	_ =	shalt  }
0x46: {  	_ =	shalt  }
0x47: {  	_ =	shalt  }
0x48: {  	_ =	shalt  }
0x49: {  	_ =	shalt  }
0x4a: {  	_ =	shalt  }
0x4b: {  	_ =	shalt  }
0x4c: {  	_ =	shalt  }
0x4d: {  	_ =	shalt  }
0x4e: {  	_ =	shalt  }
0x4f: {  	_ =	shalt  }
0x50: {  	_ =	shalt  }
0x51: {  	_ =	shalt  }
0x52: {  	_ =	shalt  }
0x53: {  	_ =	shalt  }
0x54: {  	_ =	shalt  }
0x55: {  	_ =	shalt  }
0x56: {  	_ =	shalt  }
0x57: {  	_ =	shalt  }
0x58: {  	_ =	shalt  }
0x59: {  	_ =	shalt  }
0x5a: {  	_ =	shalt  }
0x5b: {  	_ =	shalt  }
0x5c: {  	_ =	shalt  }
0x5d: {  	_ =	shalt  }
0x5e: {  	_ =	shalt  }
0x5f: {  	_ =	shalt  }
0x60: {  	_ =	shalt  }
0x61: {  	_ =	shalt  }
0x62: {  	_ =	shalt  }
0x63: {  	_ =	shalt  }
0x64: {  	_ =	shalt  }
0x65: {  	_ =	shalt  }
0x66: {  	_ =	shalt  }
0x67: {  	_ =	shalt  }
0x68: {  	_ =	shalt  }
0x69: {  	_ =	shalt  }
0x6a: {  	_ =	shalt  }
0x6b: {  	_ =	shalt  }
0x6c: {  	_ =	shalt  }
0x6d: {  	_ =	shalt  }
0x6e: {  	_ =	shalt  }
0x6f: {  	_ =	shalt  }
0x70: {  	_ =	shalt  }
0x71: {  	_ =	shalt  }
0x72: {  	_ =	shalt  }
0x73: {  	_ =	shalt  }
0x74: {  	_ =	shalt  }
0x75: {  	_ =	shalt  }
0x76: {  	_ =	shalt  }
0x77: {  	_ =	shalt  }
0x78: {  	_ =	shalt  }
0x79: {  	_ =	shalt  }
0x7a: {  	_ =	shalt  }
0x7b: {  	_ =	shalt  }
0x7c: {  	_ =	shalt  }
0x7d: {  	_ =	shalt  }
0x7e: {  	_ =	shalt  }
0x7f: {  	_ =	shalt  }
0x80: {  	_ =	shalt  }
0x81: {  	_ =	shalt  }
0x82: {  	_ =	shalt  }
0x83: {  	_ =	shalt  }
0x84: {  	_ =	shalt  }
0x85: {  	_ =	shalt  }
0x86: {  	_ =	shalt  }
0x87: {  	_ =	shalt  }
.Lfunc_end0:
.L_simem_size_0:
called_computation_lowered:
.L_overlay_start_0:
0x88: {  	s2 =	sld [smem:$0x3FD9]  }
0x89: {  	s3 =	sld [smem:$0x3FFE];
	_ =	sdelay $0x1  }
0x8a: {  	s1 =	srdreg.scid  }
0x8b: {  	s0 =	sand.u32 $0x1, s1  }
0x8c: {  	s17 =	sshll.u32 s0, $0xA;
	s2 =	sadd.s32 s3, s2  }
0x8d: {  	s2 =	sadd.s32 s2, s17  }
0x8e: {  	[smem:$0x3FC6] =	sst s2  }
0x8f: {  	_ = 	snop  }
0x90: {  	s2 =	sld [smem:$0x3FC9]  }
0x91: {  	s18 =	sld [smem:$0x3FD0];
	(tm) =	ssettm $0x1  }
0x92: {  	s4 =	sld [smem:$0x3FFB];
	_ =	sdelay $0x3  }
0x93: {  	_ =	strace s4  }
0x94: {  	s4 =	sld [smem:$0x3FFC];
	_ =	sdelay $0x3  }
0x95: {  	_ =	strace s4  }
0x96: {  	s4 =	sld [smem:$0x3FFD];
	_ =	sdelay $0x3  }
0x97: {  	_ =	strace s4  }
0x98: {  	_ =	strace $0x8FFFFFFF  }
0x99: {  	s19 =	sld [smem:$0x3FDB];
	_ =	sdelay $0x1  }
0x9a: {  	s5 =	simm.s32 $_scs_section_size  }
0x9b: {  	s6 =	simm.s32 $_size__tile_overlayer_lowered;
	s7 =	simm.s32 $_tile_overlayer_lowered  }
0x9c: {  	s22 =	simm.s32 $0x1BFF;
	s21 =	sshll.u32 s7, $0x1;
	s4 =	sadd.s32 s5, s19  }
0x9d: {  	s8 =	simm.s32 $0x0;
	s20 =	sshll.u32 s6, $0x1;
	s6 =	sadd.s32 s21, s4  }
0x9e: {  	[timem:s8], [sflag:s22] =	dma.local [hbm:s6], s20  }
0x9f: {  	_ =	swait.ge [sflag:s22], s20  }
0xa0: {  	s5 =	ssub.s32 $0x0, s20;
	[sflag:s22] =	ssyncset.done $0x0  }
0xa1: {  	[sflag:s22] =	ssyncadd.s32 s5;
	_ =	sdelay $0x1  }
0xa2: {  	s23 =	simm.s32 $0x1B8B  }
0xa3: {  	_ =	swait.ge [sflag:s23], $0x1  }
0xa4: {  	[sflag:s23] =	ssyncset.done $0x0  }
0xa5: {  	s25 =	simm.s32 $0x1B8E;
	s24 =	sld [smem:$0x3FFE];
	[sflag:s23] =	ssyncadd.s32 $0xFFFFFFFF  }
0xa6: {  	s26 =	simm.s32 $execute0_lowered;
	[smem:$0x3FD2] =	sst s25  }
0xa7: {  	s6 =	sshll.u32 s26, $0x1;
	_ =	strace $0x80000046;
	[dreg:$0x1] =	wrdreg $0xFFFFFFFF  }
0xa8: {  	s28 =	simm.s32 $_size_execute0_lowered;
	s4 =	sadd.s32 s4, s6;
	[dreg:$0x0] =	wrdreg $0x0  }
0xa9: {  	s6 =	sshll.u32 s28, $0x1;
	[dreg:$0x2] =	wrdreg s4  }
0xaa: {  	[dreg:$0x3] =	wrdreg s6  }
0xab: {  	[dreg:$0x4] =	wrdreg $0xC0  }
0xac: {  	_ =	task [dreg:s8], $0x5FFFF  }
0xad: {  	[dreg:$0x1] =	wrdreg $0xFFFFFFFF  }
0xae: {  	[dreg:$0x0] =	wrdreg $0x60  }
0xaf: {  	[dreg:$0x2] =	wrdreg s2  }
0xb0: {  	[dreg:$0x3] =	wrdreg s24  }
0xb1: {  	[dreg:$0x4] =	wrdreg s18  }
0xb2: {  	[dreg:$0x5] =	wrdreg $0x9  }
0xb3: {  	_ =	task.clear_ibuf [dreg:s8], $0x6FFFF;
	_ =	strace $0x90000046  }
0xb4: {  	s29 =	simm.s32 $0x9;
	_ =	strace $0x80000048  }
0xb5: {  	_ =	swait.ge [sflag:s29], $0x1  }
0xb6: {  	[sflag:s29] =	ssyncadd.s32 $0xFFFFFFFF  }
0xb7: {  	_ =	strace $0x90000048  }
0xb8: {  	_ =	sfence  }
0xb9: {  	s30 =	sld [smem:$0x0];
	_ =	sdelay $0x2  }
0xba: {  	s31 =	sshll.u32 s1, $0xD;
	s1 =	sshrl.u32 s1, $0x2  }
0xbb: {  	s3 =	sand.u32 $0x4000, s31;
	s1 =	sadd.s32 s1, s30  }
0xbc: {  	s0 =	sor.u32 s3, s0;
	s1 =	sshll.u32 s1, $0x11  }
0xbd: {  	s0 =	sor.u32 s1, s0  }
0xbe: {  	s0 =	sadd.s32 $0x8F2B, s0  }
0xbf: {  	[sflag:s0] =	ssyncadd.remote.s32 $0x1  }
0xc0: {  	_ =	sfence.sel $0xFFFF  }
0xc1: {  	[dreg:$0x0] =	wrdreg $0xFFFFFFFF;
	(pc) =	sbr.abs _section_cstart, $3  }
0xc2: {  	[dreg:$0x1] =	wrdreg $0xFFFFFFFF  }
0xc3: {  	_ =	task.clear_ibuf [dreg:s8], $0x2FFFF;
	_ =	strace $0x9FFFFFFF  }
0xc4: {  	(tm) =	ssettm $0x7FFFFFFF  }
0xc5: {  	_ =	shalt  }
tec
execute0_lowered:
.L_overlay_start_1:
0x0: {  	(tag) =	ssettag $0x1  }
0x1: {  	s0 =	srdreg.scid  }
0x2: {  	s1 =	stileid.u32;
	s6 =	rddreg [dreg:$0x0]  }
0x3: {  	s2 =	rddreg [dreg:$0x1];
	s0 =	sand.u32 $0x1, s0;
	s1 =	sshll.u32 s1, $0x1  }
0x4: {  	s5 =	simm.s32 $0x0;
	s1 =	sor.u32 s0, s1;
	s0 =	ssub.s32 $0x2, s0  }
0x5: {  	[smem:$0x7FF] =	sst s5;
	s4 =	smul.u32 $0x19000, s1;
	s19 =	sshrl.u32 s0, $0x1  }
0x6: {  	s2 =	sadd.s32 $0x400, s2;
	_ =	strace $0x80000047;
	s0 =	ssub.s32 s0, s19  }
0x7: {  	[dreg:$0x5] =	wrdreg s2;
	s3 =	sshrl.u32 s4, $0x3;
	s0 =	smax.u32 s0, $0x1  }
0x8: {  	s20 =	sadd.s32 s6, s3;
	[dreg:$0x7] =	wrdreg s0  }
0x9: {  	s21 =	sadd.s32 $0x100, s20;
	[dreg:$0x4] =	wrdreg s20  }
0xa: {  	s22 =	sadd.s32 $0x10, s20;
	[dreg:$0x6] =	wrdreg s21  }
0xb: {  	s23 =	sadd.s32 $0x20, s20;
	[dreg:$0x8] =	wrdreg s22  }
0xc: {  	s24 =	sadd.s32 $0x30, s20;
	[dreg:$0x9] =	wrdreg s23  }
0xd: {  	s25 =	sadd.s32 $0x40, s20;
	[dreg:$0xa] =	wrdreg s24  }
0xe: {  	s26 =	sadd.s32 $0x50, s20;
	[dreg:$0xb] =	wrdreg s25  }
.Ltmp0:
0xf: {  	s28 =	sadd.s32 $0x60, s20;
	[dreg:$0xc] =	wrdreg s26;
	(pc) =	sbr.rel .LBB2_1-.Ltmp0, $4  }
0x10: {  	s29 =	sadd.s32 $0x70, s20;
	[dreg:$0xd] =	wrdreg s28  }
0x11: {  	s30 =	sadd.s32 $0x80, s20;
	[dreg:$0xe] =	wrdreg s29  }
0x12: {  	s14 =	simm.s32 $0x1;
	s31 =	sadd.s32 $0x90, s20;
	[dreg:$0xf] =	wrdreg s30  }
0x13: {  	s2 =	simm.s32 $0x0;
	[dreg:$0x10] =	wrdreg s31;
	s22 =	simm.s32 $0x2  }
.LBB2_8:
0x14: {  	s0 =	simm.s32 $0x3  }
0x15: {  	_ =	swait.ge [sflag:s0], $0xC000  }
0x16: {  	[sflag:s0] =	ssyncset.done $0x0  }
0x17: {  	s1 =	simm.s32 $0x4;
	[sflag:s0] =	ssyncadd.s32 $0xFFFF4000  }
0x18: {  	_ =	swait.ge [sflag:s1], $0xC000  }
0x19: {  	s2 =	rddreg [dreg:$0x11]  }
0x1a: {  	s31 =	rddreg [dreg:$0x7];
	s2 =	sadd.s32 $0x1, s2  }
0x1b: {  	p0 =	sne.s32 s2, s31  }
.Ltmp1:
0x1c: {  	_ = 	snop;
	(pc) =	sbr.rel @!p0 .LBB2_9-.Ltmp1, $3  }
0x1d: {  	_ =	sdelay $0x1  }
0x1e: {  	[sflag:s1] =	ssyncset.done $0x0  }
0x1f: {  	[sflag:s1] =	ssyncadd.s32 $0xFFFF4000  }
.LBB2_1:
0x20: {  	[dreg:$0x11] =	wrdreg s2  }
0x21: {  	s0 =	rddreg [dreg:$0x5];
	s16 =	simm.s32 $0x5  }
0x22: {  	[tilespmem:s5], [sflag:$0x5] =	stream.linear.gather [hbm4b:s0+s5], $0x100, $0x38;
	[tilespmem:$0x19100] =	vst v63  }
0x23: {  	_ =	swait.ge [sflag:s16], $0x100  }
0x24: {  	[sflag:s16] =	ssyncset.done $0x0  }
0x25: {  	s17 =	simm.s32 $0x100;
	s1 =	rddreg [dreg:$0x4];
	[sflag:s16] =	ssyncadd.s32 $0xFFFFFF00  }
0x26: {  	[tilespmem:s17], [sflag:$0x1] =	stream.linear.gather [hbm4b:s1+s5], $0x80, $0x38;
	[tilespmem:$0x19100] =	vst v63  }
0x27: {  	s19 =	simm.s32 $0x200;
	s18 =	rddreg [dreg:$0x8]  }
0x28: {  	[tilespmem:s19], [sflag:$0x1] =	stream.linear.gather [hbm4b:s18+s5], $0x80, $0x38;
	[tilespmem:$0x19100] =	vst v63  }
0x29: {  	s21 =	simm.s32 $0x300;
	s20 =	rddreg [dreg:$0x9]  }
0x2a: {  	[tilespmem:s21], [sflag:$0x1] =	stream.linear.gather [hbm4b:s20+s5], $0x80, $0x38;
	[tilespmem:$0x19100] =	vst v63  }
0x2b: {  	s24 =	simm.s32 $0x400;
	s23 =	rddreg [dreg:$0xa]  }
0x2c: {  	[tilespmem:s24], [sflag:$0x1] =	stream.linear.gather [hbm4b:s23+s5], $0x80, $0x38;
	[tilespmem:$0x19100] =	vst v63  }
0x2d: {  	s26 =	simm.s32 $0x500;
	s25 =	rddreg [dreg:$0xb]  }
0x2e: {  	[tilespmem:s26], [sflag:$0x1] =	stream.linear.gather [hbm4b:s25+s5], $0x80, $0x38;
	[tilespmem:$0x19100] =	vst v63  }
0x2f: {  	s29 =	simm.s32 $0x600;
	s28 =	rddreg [dreg:$0xc]  }
0x30: {  	[tilespmem:s29], [sflag:$0x1] =	stream.linear.gather [hbm4b:s28+s5], $0x80, $0x38;
	[tilespmem:$0x19100] =	vst v63  }
0x31: {  	s31 =	simm.s32 $0x700;
	s30 =	rddreg [dreg:$0xd]  }
0x32: {  	[tilespmem:s31], [sflag:$0x1] =	stream.linear.gather [hbm4b:s30+s5], $0x80, $0x38;
	[tilespmem:$0x19100] =	vst v63  }
0x33: {  	s3 =	simm.s32 $0x800;
	s2 =	rddreg [dreg:$0xe]  }
0x34: {  	[tilespmem:s3], [sflag:$0x1] =	stream.linear.gather [hbm4b:s2+s5], $0x80, $0x38;
	[tilespmem:$0x19100] =	vst v63  }
0x35: {  	s7 =	simm.s32 $0x900;
	s6 =	rddreg [dreg:$0xf]  }
0x36: {  	[tilespmem:s7], [sflag:$0x1] =	stream.linear.gather [hbm4b:s6+s5], $0x80, $0x38;
	[tilespmem:$0x19100] =	vst v63  }
0x37: {  	s9 =	simm.s32 $0xA00;
	s8 =	rddreg [dreg:$0x10]  }
0x38: {  	[tilespmem:s9], [sflag:$0x1] =	stream.linear.gather [hbm4b:s8+s5], $0x80, $0x38;
	[tilespmem:$0x19100] =	vst v63  }
0x39: {  	s11 =	simm.s32 $0xB00;
	s10 =	sadd.s32 $0xA0, s1  }
0x3a: {  	[tilespmem:s11], [sflag:$0x1] =	stream.linear.gather [hbm4b:s10+s5], $0x80, $0x38;
	[tilespmem:$0x19100] =	vst v63  }
0x3b: {  	s13 =	simm.s32 $0xC00;
	s12 =	sadd.s32 $0xB0, s1  }
0x3c: {  	[tilespmem:s13], [sflag:$0x1] =	stream.linear.gather [hbm4b:s12+s5], $0x80, $0x38;
	[tilespmem:$0x19100] =	vst v63  }
0x3d: {  	s15 =	sadd.s32 $0xC0, s1;
	s16 =	simm.s32 $0xD00  }
0x3e: {  	[tilespmem:s16], [sflag:$0x1] =	stream.linear.gather [hbm4b:s15+s5], $0x80, $0x38;
	[tilespmem:$0x19100] =	vst v63  }
0x3f: {  	s17 =	sadd.s32 $0xD0, s1;
	s18 =	simm.s32 $0xE00  }
0x40: {  	[tilespmem:s18], [sflag:$0x1] =	stream.linear.gather [hbm4b:s17+s5], $0x80, $0x38;
	[tilespmem:$0x19100] =	vst v63  }
0x41: {  	s19 =	sadd.s32 $0xE0, s1;
	s20 =	simm.s32 $0xF00  }
0x42: {  	[tilespmem:s20], [sflag:$0x1] =	stream.linear.gather [hbm4b:s19+s5], $0x80, $0x38;
	[tilespmem:$0x19100] =	vst v63  }
0x43: {  	s21 =	sadd.s32 $0xF0, s1;
	s23 =	simm.s32 $0x1000  }
0x44: {  	[tilespmem:s23], [sflag:$0x1] =	stream.linear.gather [hbm4b:s21+s5], $0x80, $0x38;
	[tilespmem:$0x19100] =	vst v63  }
0x45: {  	s1 =	rddreg [dreg:$0x6];
	s24 =	simm.s32 $0x180  }
0x46: {  	[tilespmem:s24], [sflag:$0x2] =	stream.linear.gather [hbm4b:s1+s5], $0x80, $0x38;
	[tilespmem:$0x19100] =	vst v63  }
0x47: {  	s25 =	sadd.s32 $0x10, s1;
	s26 =	simm.s32 $0x280  }
0x48: {  	[tilespmem:s26], [sflag:$0x2] =	stream.linear.gather [hbm4b:s25+s5], $0x80, $0x38;
	[tilespmem:$0x19100] =	vst v63  }
0x49: {  	s28 =	sadd.s32 $0x20, s1;
	s29 =	simm.s32 $0x380  }
0x4a: {  	[tilespmem:s29], [sflag:$0x2] =	stream.linear.gather [hbm4b:s28+s5], $0x80, $0x38;
	[tilespmem:$0x19100] =	vst v63  }
0x4b: {  	s30 =	sadd.s32 $0x30, s1;
	s31 =	simm.s32 $0x480  }
0x4c: {  	[tilespmem:s31], [sflag:$0x2] =	stream.linear.gather [hbm4b:s30+s5], $0x80, $0x38;
	[tilespmem:$0x19100] =	vst v63  }
0x4d: {  	s3 =	sadd.s32 $0x40, s1;
	s6 =	simm.s32 $0x580  }
0x4e: {  	[tilespmem:s6], [sflag:$0x2] =	stream.linear.gather [hbm4b:s3+s5], $0x80, $0x38;
	[tilespmem:$0x19100] =	vst v63  }
0x4f: {  	s7 =	sadd.s32 $0x50, s1;
	s8 =	simm.s32 $0x680  }
0x50: {  	[tilespmem:s8], [sflag:$0x2] =	stream.linear.gather [hbm4b:s7+s5], $0x80, $0x38;
	[tilespmem:$0x19100] =	vst v63  }
0x51: {  	s9 =	sadd.s32 $0x60, s1;
	s10 =	simm.s32 $0x780  }
0x52: {  	[tilespmem:s10], [sflag:$0x2] =	stream.linear.gather [hbm4b:s9+s5], $0x80, $0x38;
	[tilespmem:$0x19100] =	vst v63  }
0x53: {  	s11 =	sadd.s32 $0x70, s1;
	s12 =	simm.s32 $0x880  }
0x54: {  	[tilespmem:s12], [sflag:$0x2] =	stream.linear.gather [hbm4b:s11+s5], $0x80, $0x38;
	[tilespmem:$0x19100] =	vst v63  }
0x55: {  	s13 =	sadd.s32 $0x80, s1;
	s15 =	simm.s32 $0x980  }
0x56: {  	[tilespmem:s15], [sflag:$0x2] =	stream.linear.gather [hbm4b:s13+s5], $0x80, $0x38;
	[tilespmem:$0x19100] =	vst v63  }
0x57: {  	s16 =	sadd.s32 $0x90, s1;
	s17 =	simm.s32 $0xA80  }
0x58: {  	[tilespmem:s17], [sflag:$0x2] =	stream.linear.gather [hbm4b:s16+s5], $0x80, $0x38;
	[tilespmem:$0x19100] =	vst v63  }
0x59: {  	s18 =	sadd.s32 $0xA0, s1;
	s19 =	simm.s32 $0xB80  }
0x5a: {  	[tilespmem:s19], [sflag:$0x2] =	stream.linear.gather [hbm4b:s18+s5], $0x80, $0x38;
	[tilespmem:$0x19100] =	vst v63  }
0x5b: {  	s20 =	sadd.s32 $0xB0, s1;
	s21 =	simm.s32 $0xC80  }
0x5c: {  	[tilespmem:s21], [sflag:$0x2] =	stream.linear.gather [hbm4b:s20+s5], $0x80, $0x38;
	[tilespmem:$0x19100] =	vst v63  }
0x5d: {  	s23 =	sadd.s32 $0xC0, s1;
	s24 =	simm.s32 $0xD80  }
0x5e: {  	[tilespmem:s24], [sflag:$0x2] =	stream.linear.gather [hbm4b:s23+s5], $0x80, $0x38;
	[tilespmem:$0x19100] =	vst v63  }
0x5f: {  	s25 =	sadd.s32 $0xD0, s1;
	s26 =	simm.s32 $0xE80  }
0x60: {  	[tilespmem:s26], [sflag:$0x2] =	stream.linear.gather [hbm4b:s25+s5], $0x80, $0x38;
	[tilespmem:$0x19100] =	vst v63  }
0x61: {  	s28 =	sadd.s32 $0xE0, s1;
	s29 =	simm.s32 $0xF80  }
0x62: {  	[tilespmem:s29], [sflag:$0x2] =	stream.linear.gather [hbm4b:s28+s5], $0x80, $0x38;
	[tilespmem:$0x19100] =	vst v63  }
0x63: {  	s30 =	sadd.s32 $0xF0, s1;
	s31 =	simm.s32 $0x1080;
	s26 =	simm.s32 $0x0  }
0x64: {  	[tilespmem:s31], [sflag:$0x2] =	stream.linear.gather [hbm4b:s30+s5], $0x80, $0x38;
	[tilespmem:$0x19100] =	vst v63  }
.LBB2_2:
0x65: {  	_ =	swait.ge [sflag:s14], $0x800  }
0x66: {  	p1 =	seq.s32 s26, $0x0;
	s0 =	simm.s32 $0x0;
	[sflag:s14] =	ssyncset.done $0x0  }
0x67: {  	s1 =	simm.s32 @!p1 $0x3;
	s2 =	sand.u32 $0x3C00, s0;
	[sflag:s14] =	ssyncadd.s32 $0xFFFFF800  }
0x68: {  	s0 =	sand.u32 $0x60, s0;
	s3 =	sshrl.u32 s2, $0x2;
	_ =	swait.ge @!p1 [sflag:s1], $0xC000  }
0x69: {  	s29 =	sor.u32 $0x10, s0;
	s3 =	sadd.s32 $0x100, s3;
	[sflag:s1] =	ssyncset.done @!p1 $0x0  }
0x6a: {  	s13 =	sor.u32 s29, s3;
	[sflag:s1] =	ssyncadd.s32 @!p1 $0xFFFF4000  }
0x6b: {  	v0 =	vld [tilespmem:s13+$0x0]  }
0x6c: {  	s15 =	sor.u32 s0, s3  }
0x6d: {  	v1 =	vld [tilespmem:s15+$0x0];
	_ =	sdelay $0x2  }
0x6e: {  	v0 =	vadd.s32 $0x4, v0  }
0x6f: {  	vm0 =	vgt.s32 v0, $0x0  }
0x70: {  	v1 =	vadd.s32 $0x4, v1;
	v0 =	vnsel vm0, $0x0, v0  }
0x71: {  	vm9 =	vgt.s32 v1, $0x0;
	v4 =	vmin.u32 v0, $0x7  }
0x72: {  	v0 =	vnsel vm9, $0x0, v1  }
0x73: {  	v3 =	vmin.u32 v0, $0x7;
	_ =	sdelay $0x2  }
0x74: {  	v0 =	vld.idx.msk [tilespmem:v4+s5+$0x0], $0xffff  }
0x75: {  	v1 =	vor.u32 $0x8, v4  }
0x76: {  	v2 =	vld.idx.msk [tilespmem:v3+s5+$0x0], $0xffff  }
0x77: {  	s16 =	sadd.s32 $0x1100, s2;
	v5 =	vor.u32 $0x8, v3  }
0x78: {  	s17 =	sor.u32 s29, s16  }
0x79: {  	[tilespmem:s17+$0x0] =	vst v0  }
0x7a: {  	s1 =	sor.u32 s0, s16;
	v0 =	vld.idx.msk [tilespmem:v1+s5+$0x0], $0xffff  }
0x7b: {  	v1 =	vor.u32 $0x10, v4;
	[tilespmem:s1+$0x0] =	vst v2  }
0x7c: {  	v2 =	vld.idx.msk [tilespmem:v5+s5+$0x0], $0xffff  }
0x7d: {  	v5 =	vor.u32 $0x10, v3;
	_ =	sdelay $0x1  }
0x7e: {  	[tilespmem:s17+$0x80] =	vst v0  }
0x7f: {  	v0 =	vld.idx.msk [tilespmem:v1+s5+$0x0], $0xffff  }
0x80: {  	v1 =	vor.u32 $0x18, v4;
	[tilespmem:s1+$0x80] =	vst v2  }
0x81: {  	v2 =	vld.idx.msk [tilespmem:v5+s5+$0x0], $0xffff  }
0x82: {  	v5 =	vor.u32 $0x18, v3;
	_ =	sdelay $0x1  }
0x83: {  	s6 =	simm.s32 $0x100;
	[tilespmem:s17+$0x100] =	vst v0  }
0x84: {  	s18 =	simm.s32 $0x20;
	s8 =	sand.u32 $0x3C00, s6;
	v0 =	vld.idx.msk [tilespmem:v1+s5+$0x0], $0xffff  }
0x85: {  	s6 =	sand.u32 $0x60, s18;
	s7 =	sshrl.u32 s8, $0x2;
	v1 =	vor.u32 $0x20, v4;
	[tilespmem:s1+$0x100] =	vst v2  }
0x86: {  	s10 =	sor.u32 $0x10, s6;
	s7 =	sadd.s32 $0x100, s7;
	v2 =	vld.idx.msk [tilespmem:v5+s5+$0x0], $0xffff  }
0x87: {  	s9 =	sor.u32 s10, s7;
	v5 =	vor.u32 $0x20, v3  }
0x88: {  	s7 =	sor.u32 s6, s7;
	v6 =	vld [tilespmem:s9+$0x0]  }
0x89: {  	v7 =	vld [tilespmem:s7+$0x0];
	[tilespmem:s17+$0x180] =	vst v0  }
0x8a: {  	v0 =	vld.idx.msk [tilespmem:v1+s5+$0x0], $0xffff  }
0x8b: {  	v1 =	vor.u32 $0x28, v4;
	[tilespmem:s1+$0x180] =	vst v2  }
0x8c: {  	v2 =	vld.idx.msk [tilespmem:v5+s5+$0x0], $0xffff  }
0x8d: {  	v5 =	vadd.s32 $0x4, v6;
	v6 =	vor.u32 $0x28, v3  }
0x8e: {  	vm10 =	vgt.s32 v5, $0x0  }
0x8f: {  	[tilespmem:s17+$0x200] =	vst v0;
	v0 =	vnsel vm10, $0x0, v5;
	v5 =	vadd.s32 $0x4, v7  }
0x90: {  	v1 =	vld.idx.msk [tilespmem:v1+s5+$0x0], $0xffff;
	v0 =	vmin.u32 v0, $0x7;
	vm11 =	vgt.s32 v5, $0x0  }
0x91: {  	v8 =	vor.u32 $0x30, v4;
	[tilespmem:s1+$0x200] =	vst v2;
	v5 =	vnsel vm11, $0x0, v5  }
0x92: {  	v2 =	vld.idx.msk [tilespmem:v6+s5+$0x0], $0xffff;
	v7 =	vmin.u32 v5, $0x7  }
0x93: {  	v5 =	vor.u32 $0x30, v3;
	_ =	sdelay $0x1  }
0x94: {  	v6 =	vld.idx.msk [tilespmem:v0+s5+$0x0], $0xffff;
	[tilespmem:s17+$0x280] =	vst v1  }
0x95: {  	v1 =	vld.idx.msk [tilespmem:v8+s5+$0x0], $0xffff;
	v8 =	vor.u32 $0x8, v0  }
0x96: {  	v9 =	vor.u32 $0x38, v4;
	[tilespmem:s1+$0x280] =	vst v2;
	v10 =	vld.idx.msk [tilespmem:v7+s5+$0x0], $0xffff  }
0x97: {  	s19 =	sadd.s32 $0x1100, s8;
	v2 =	vor.u32 $0x8, v7;
	v5 =	vld.idx.msk [tilespmem:v5+s5+$0x0], $0xffff  }
0x98: {  	s12 =	sor.u32 s10, s19;
	v11 =	vor.u32 $0x38, v3  }
0x99: {  	[tilespmem:s12+$0x0] =	vst v6  }
0x9a: {  	s11 =	sor.u32 s6, s19;
	v6 =	vld.idx.msk [tilespmem:v8+s5+$0x0], $0xffff;
	[tilespmem:s17+$0x300] =	vst v1  }
0x9b: {  	v8 =	vor.u32 $0x10, v0;
	v1 =	vld.idx.msk [tilespmem:v9+s5+$0x0], $0xffff;
	[tilespmem:s11+$0x0] =	vst v10  }
0x9c: {  	v9 =	vor.u32 $0x40, v4;
	[tilespmem:s1+$0x300] =	vst v5;
	v2 =	vld.idx.msk [tilespmem:v2+s5+$0x0], $0xffff  }
0x9d: {  	v5 =	vor.u32 $0x10, v7;
	v10 =	vld.idx.msk [tilespmem:v11+s5+$0x0], $0xffff  }
0x9e: {  	v11 =	vor.u32 $0x40, v3  }
0x9f: {  	[tilespmem:s12+$0x80] =	vst v6  }
0xa0: {  	[tilespmem:s17+$0x380] =	vst v1;
	v1 =	vld.idx.msk [tilespmem:v8+s5+$0x0], $0xffff  }
0xa1: {  	v8 =	vor.u32 $0x18, v0;
	v6 =	vld.idx.msk [tilespmem:v9+s5+$0x0], $0xffff;
	[tilespmem:s11+$0x80] =	vst v2  }
0xa2: {  	v2 =	vor.u32 $0x48, v4;
	[tilespmem:s1+$0x380] =	vst v10;
	v5 =	vld.idx.msk [tilespmem:v5+s5+$0x0], $0xffff  }
0xa3: {  	v9 =	vor.u32 $0x18, v7;
	v10 =	vld.idx.msk [tilespmem:v11+s5+$0x0], $0xffff  }
0xa4: {  	s20 =	sadd.s32 $0x5100, s2;
	v11 =	vor.u32 $0x48, v3  }
0xa5: {  	s23 =	simm.s32 $0x200;
	s21 =	sor.u32 s29, s20;
	[tilespmem:s12+$0x100] =	vst v1  }
0xa6: {  	s24 =	simm.s32 $0x40;
	s17 =	sand.u32 $0x3C00, s23;
	v1 =	vld.idx.msk [tilespmem:v8+s5+$0x0], $0xffff;
	[tilespmem:s21+$0x0] =	vst v6  }
0xa7: {  	s19 =	sand.u32 $0x60, s24;
	s1 =	sor.u32 s0, s20;
	s25 =	sshrl.u32 s17, $0x2;
	v6 =	vor.u32 $0x20, v0;
	v2 =	vld.idx.msk [tilespmem:v2+s5+$0x0], $0xffff;
	[tilespmem:s11+$0x100] =	vst v5  }
0xa8: {  	s7 =	sadd.s32 $0x100, s25;
	s21 =	sor.u32 $0x10, s19;
	v5 =	vor.u32 $0x50, v4;
	[tilespmem:s1+$0x0] =	vst v10;
	v8 =	vld.idx.msk [tilespmem:v9+s5+$0x0], $0xffff  }
0xa9: {  	s3 =	sor.u32 s21, s7;
	v9 =	vld.idx.msk [tilespmem:v11+s5+$0x0], $0xffff  }
0xaa: {  	s9 =	sadd.s32 $0x5180, s2;
	v10 =	vor.u32 $0x20, v7;
	s1 =	sor.u32 s19, s7;
	v11 =	vld [tilespmem:s3+$0x0]  }
0xab: {  	s13 =	sor.u32 s29, s9;
	v12 =	vld [tilespmem:s1+$0x0];
	[tilespmem:s12+$0x180] =	vst v1;
	v1 =	vor.u32 $0x50, v3  }
0xac: {  	v6 =	vld.idx.msk [tilespmem:v6+s5+$0x0], $0xffff;
	[tilespmem:s13+$0x0] =	vst v2  }
0xad: {  	v2 =	vld.idx.msk [tilespmem:v5+s5+$0x0], $0xffff;
	v5 =	vor.u32 $0x28, v0  }
0xae: {  	s15 =	sor.u32 s0, s9;
	[tilespmem:s11+$0x180] =	vst v8;
	v8 =	vor.u32 $0x58, v4  }
0xaf: {  	[tilespmem:s15+$0x0] =	vst v9;
	v9 =	vld.idx.msk [tilespmem:v10+s5+$0x0], $0xffff;
	v10 =	vadd.s32 $0x4, v11  }
0xb0: {  	s16 =	sadd.s32 $0x5200, s2;
	v13 =	vor.u32 $0x28, v7;
	vm12 =	vgt.s32 v10, $0x0;
	v14 =	vld.idx.msk [tilespmem:v1+s5+$0x0], $0xffff  }
0xb1: {  	s18 =	sor.u32 s29, s16;
	v15 =	vor.u32 $0x58, v3;
	v1 =	vnsel vm12, $0x0, v10;
	[tilespmem:s12+$0x200] =	vst v6  }
0xb2: {  	v1 =	vmin.u32 v1, $0x7;
	v5 =	vld.idx.msk [tilespmem:v5+s5+$0x0], $0xffff;
	[tilespmem:s18+$0x0] =	vst v2;
	v2 =	vadd.s32 $0x4, v12  }
0xb3: {  	v6 =	vld.idx.msk [tilespmem:v8+s5+$0x0], $0xffff;
	vm13 =	vgt.s32 v2, $0x0;
	v8 =	vor.u32 $0x30, v0  }
0xb4: {  	s1 =	sor.u32 s0, s16;
	[tilespmem:s11+$0x200] =	vst v9;
	v9 =	vor.u32 $0x60, v4;
	v2 =	vnsel vm13, $0x0, v2  }
0xb5: {  	v11 =	vmin.u32 v2, $0x7;
	v2 =	vld.idx.msk [tilespmem:v13+s5+$0x0], $0xffff;
	[tilespmem:s1+$0x0] =	vst v14  }
0xb6: {  	s20 =	sadd.s32 $0x5280, s2;
	v10 =	vor.u32 $0x30, v7;
	v12 =	vld.idx.msk [tilespmem:v15+s5+$0x0], $0xffff  }
0xb7: {  	s23 =	sor.u32 s29, s20;
	v13 =	vor.u32 $0x60, v3;
	v14 =	vld.idx.msk [tilespmem:v1+s5+$0x0], $0xffff;
	[tilespmem:s12+$0x280] =	vst v5  }
0xb8: {  	v5 =	vld.idx.msk [tilespmem:v8+s5+$0x0], $0xffff;
	[tilespmem:s23+$0x0] =	vst v6;
	v6 =	vor.u32 $0x8, v1  }
0xb9: {  	v8 =	vld.idx.msk [tilespmem:v9+s5+$0x0], $0xffff;
	v9 =	vor.u32 $0x38, v0  }
0xba: {  	s24 =	sadd.s32 $0x1100, s17;
	s1 =	sor.u32 s0, s20;
	v15 =	vld.idx.msk [tilespmem:v11+s5+$0x0], $0xffff;
	[tilespmem:s11+$0x280] =	vst v2;
	v2 =	vor.u32 $0x68, v4  }
0xbb: {  	s9 =	sor.u32 s21, s24;
	v16 =	vor.u32 $0x8, v11;
	v10 =	vld.idx.msk [tilespmem:v10+s5+$0x0], $0xffff;
	[tilespmem:s1+$0x0] =	vst v12  }
0xbc: {  	s25 =	sadd.s32 $0x5300, s2;
	v12 =	vor.u32 $0x38, v7;
	[tilespmem:s9+$0x0] =	vst v14;
	v13 =	vld.idx.msk [tilespmem:v13+s5+$0x0], $0xffff  }
0xbd: {  	s13 =	sor.u32 s29, s25;
	v14 =	vor.u32 $0x68, v3;
	v6 =	vld.idx.msk [tilespmem:v6+s5+$0x0], $0xffff;
	[tilespmem:s12+$0x300] =	vst v5  }
0xbe: {  	s7 =	sor.u32 s19, s24;
	v5 =	vld.idx.msk [tilespmem:v9+s5+$0x0], $0xffff;
	[tilespmem:s13+$0x0] =	vst v8;
	v8 =	vor.u32 $0x10, v1  }
0xbf: {  	v9 =	vor.u32 $0x40, v0;
	v2 =	vld.idx.msk [tilespmem:v2+s5+$0x0], $0xffff;
	[tilespmem:s7+$0x0] =	vst v15  }
0xc0: {  	s1 =	sor.u32 s0, s25;
	v15 =	vld.idx.msk [tilespmem:v16+s5+$0x0], $0xffff;
	[tilespmem:s11+$0x300] =	vst v10;
	v10 =	vor.u32 $0x70, v4  }
0xc1: {  	v16 =	vor.u32 $0x10, v11;
	v12 =	vld.idx.msk [tilespmem:v12+s5+$0x0], $0xffff;
	[tilespmem:s1+$0x0] =	vst v13  }
0xc2: {  	s13 =	sadd.s32 $0x5380, s2;
	v13 =	vor.u32 $0x40, v7;
	[tilespmem:s9+$0x80] =	vst v6;
	v6 =	vld.idx.msk [tilespmem:v14+s5+$0x0], $0xffff  }
0xc3: {  	s15 =	sor.u32 s29, s13;
	v14 =	vor.u32 $0x70, v3;
	[tilespmem:s12+$0x380] =	vst v5;
	v5 =	vld.idx.msk [tilespmem:v8+s5+$0x0], $0xffff  }
0xc4: {  	v8 =	vor.u32 $0x18, v1;
	[tilespmem:s15+$0x0] =	vst v2;
	v2 =	vld.idx.msk [tilespmem:v9+s5+$0x0], $0xffff  }
0xc5: {  	[tilespmem:s7+$0x80] =	vst v15;
	v9 =	vld.idx.msk [tilespmem:v10+s5+$0x0], $0xffff;
	v10 =	vor.u32 $0x48, v0  }
0xc6: {  	s1 =	sor.u32 s0, s13;
	v15 =	vld.idx.msk [tilespmem:v16+s5+$0x0], $0xffff;
	[tilespmem:s11+$0x380] =	vst v12;
	v12 =	vor.u32 $0x78, v4  }
0xc7: {  	s16 =	sadd.s32 $0x5100, s8;
	v16 =	vor.u32 $0x18, v11;
	v13 =	vld.idx.msk [tilespmem:v13+s5+$0x0], $0xffff;
	[tilespmem:s1+$0x0] =	vst v6  }
0xc8: {  	s18 =	sor.u32 s10, s16;
	s20 =	sadd.s32 $0x5400, s2;
	s25 =	simm.s32 $0x300;
	v14 =	vld.idx.msk [tilespmem:v14+s5+$0x0], $0xffff;
	[tilespmem:s9+$0x100] =	vst v5  }
0xc9: {  	s31 =	simm.s32 $0x60;
	s24 =	sor.u32 s29, s20;
	s23 =	sand.u32 $0x3C00, s25;
	v6 =	vor.u32 $0x48, v7;
	v8 =	vld.idx.msk [tilespmem:v8+s5+$0x0], $0xffff;
	[tilespmem:s18+$0x0] =	vst v2  }
0xca: {  	s25 =	sand.u32 $0x60, s31;
	s13 =	sshrl.u32 s23, $0x2;
	v5 =	vor.u32 $0x78, v3;
	v2 =	vld.idx.msk [tilespmem:v10+s5+$0x0], $0xffff;
	[tilespmem:s24+$0x0] =	vst v9  }
0xcb: {  	s28 =	sor.u32 $0x10, s25;
	s15 =	sadd.s32 $0x100, s13;
	s1 =	sor.u32 s6, s16;
	v9 =	vor.u32 $0x20, v1;
	[tilespmem:s7+$0x100] =	vst v15;
	v10 =	vld.idx.msk [tilespmem:v12+s5+$0x0], $0xffff  }
0xcc: {  	s16 =	sor.u32 s28, s15;
	v12 =	vld.idx.msk [tilespmem:v16+s5+$0x0], $0xffff;
	[tilespmem:s1+$0x0] =	vst v13;
	v13 =	vor.u32 $0x50, v0  }
0xcd: {  	s12 =	sor.u32 s0, s20;
	v16 =	vld [tilespmem:s16+$0x0]  }
0xce: {  	s18 =	sadd.s32 $0x5180, s8;
	v6 =	vld.idx.msk [tilespmem:v6+s5+$0x0], $0xffff;
	[tilespmem:s12+$0x0] =	vst v14;
	v14 =	vor.u32 $0x80, v4  }
0xcf: {  	s20 =	sor.u32 s10, s18;
	s24 =	sadd.s32 $0x5480, s2;
	v15 =	vor.u32 $0x20, v11;
	v5 =	vld.idx.msk [tilespmem:v5+s5+$0x0], $0xffff;
	[tilespmem:s9+$0x180] =	vst v8  }
0xd0: {  	s13 =	sor.u32 s29, s24;
	v8 =	vor.u32 $0x50, v7;
	v9 =	vld.idx.msk [tilespmem:v9+s5+$0x0], $0xffff;
	[tilespmem:s20+$0x0] =	vst v2  }
0xd1: {  	s1 =	sor.u32 s25, s15;
	v2 =	vor.u32 $0x80, v3;
	[tilespmem:s13+$0x0] =	vst v10;
	v13 =	vld.idx.msk [tilespmem:v13+s5+$0x0], $0xffff  }
0xd2: {  	v10 =	vor.u32 $0x28, v1;
	[tilespmem:s7+$0x180] =	vst v12;
	v12 =	vld [tilespmem:s1+$0x0]  }
0xd3: {  	v17 =	vor.u32 $0x58, v0;
	s15 =	sor.u32 s6, s18;
	v14 =	vld.idx.msk [tilespmem:v14+s5+$0x0], $0xffff  }
0xd4: {  	s16 =	sor.u32 s0, s24;
	v16 =	vadd.s32 $0x4, v16;
	[tilespmem:s15+$0x0] =	vst v6;
	v6 =	vld.idx.msk [tilespmem:v15+s5+$0x0], $0xffff;
	v15 =	vor.u32 $0x88, v4  }
0xd5: {  	v18 =	vor.u32 $0x28, v11;
	s18 =	sadd.s32 $0x5200, s8;
	vm14 =	vgt.s32 v16, $0x0;
	[tilespmem:s16+$0x0] =	vst v5;
	v5 =	vld.idx.msk [tilespmem:v8+s5+$0x0], $0xffff  }
0xd6: {  	s24 =	sadd.s32 $0x9100, s2;
	s20 =	sor.u32 s10, s18;
	v8 =	vor.u32 $0x58, v7;
	[tilespmem:s9+$0x200] =	vst v9;
	v9 =	vld.idx.msk [tilespmem:v2+s5+$0x0], $0xffff;
	v2 =	vnsel vm14, $0x0, v16  }
0xd7: {  	s12 =	sor.u32 s29, s24;
	v10 =	vld.idx.msk [tilespmem:v10+s5+$0x0], $0xffff;
	v2 =	vmin.u32 v2, $0x7;
	[tilespmem:s20+$0x0] =	vst v13  }
0xd8: {  	v22 =	vor.u32 $0x88, v3;
	v13 =	vld.idx.msk [tilespmem:v17+s5+$0x0], $0xffff;
	[tilespmem:s12+$0x0] =	vst v14  }
0xd9: {  	s1 =	sor.u32 s6, s18;
	v12 =	vadd.s32 $0x4, v12;
	v14 =	vor.u32 $0x30, v1;
	[tilespmem:s7+$0x200] =	vst v6;
	v15 =	vld.idx.msk [tilespmem:v15+s5+$0x0], $0xffff  }
0xda: {  	s11 =	sor.u32 s0, s24;
	vm15 =	vgt.s32 v12, $0x0;
	v6 =	vor.u32 $0x60, v0;
	v17 =	vld.idx.msk [tilespmem:v18+s5+$0x0], $0xffff;
	[tilespmem:s1+$0x0] =	vst v5  }
0xdb: {  	s13 =	sadd.s32 $0x5280, s8;
	v12 =	vnsel vm15, $0x0, v12;
	v5 =	vor.u32 $0x90, v4;
	v8 =	vld.idx.msk [tilespmem:v8+s5+$0x0], $0xffff;
	[tilespmem:s11+$0x0] =	vst v9  }
0xdc: {  	s15 =	sor.u32 s10, s13;
	s12 =	sadd.s32 $0x9180, s2;
	v16 =	vmin.u32 v12, $0x7;
	v18 =	vld.idx.msk [tilespmem:v2+s5+$0x0], $0xffff;
	[tilespmem:s9+$0x280] =	vst v10  }
0xdd: {  	s16 =	sor.u32 s29, s12;
	v12 =	vor.u32 $0x30, v11;
	v22 =	vld.idx.msk [tilespmem:v22+s5+$0x0], $0xffff;
	[tilespmem:s15+$0x0] =	vst v13  }
0xde: {  	v10 =	vor.u32 $0x60, v7;
	v14 =	vld.idx.msk [tilespmem:v14+s5+$0x0], $0xffff;
	[tilespmem:s16+$0x0] =	vst v15  }
0xdf: {  	s18 =	sadd.s32 $0x1100, s23;
	s1 =	sor.u32 s6, s13;
	v13 =	vor.u32 $0x8, v2;
	v6 =	vld.idx.msk [tilespmem:v6+s5+$0x0], $0xffff;
	[tilespmem:s7+$0x280] =	vst v17  }
0xe0: {  	s13 =	sor.u32 s28, s18;
	v9 =	vor.u32 $0x38, v1;
	v5 =	vld.idx.msk [tilespmem:v5+s5+$0x0], $0xffff;
	[tilespmem:s1+$0x0] =	vst v8  }
0xe1: {  	s12 =	sor.u32 s0, s12;
	v17 =	vor.u32 $0x68, v0;
	v15 =	vld.idx.msk [tilespmem:v16+s5+$0x0], $0xffff;
	[tilespmem:s13+$0x0] =	vst v18  }
0xe2: {  	v4 =	vor.u32 $0x98, v4;
	s15 =	sadd.s32 $0x5300, s8;
	v12 =	vld.idx.msk [tilespmem:v12+s5+$0x0], $0xffff;
	[tilespmem:s12+$0x0] =	vst v22  }
0xe3: {  	v19 =	vor.u32 $0x8, v16;
	s20 =	sor.u32 s10, s15;
	s1 =	sadd.s32 $0x9200, s2;
	v18 =	vld.idx.msk [tilespmem:v10+s5+$0x0], $0xffff;
	[tilespmem:s9+$0x300] =	vst v14  }
0xe4: {  	v20 =	vor.u32 $0x38, v11;
	s24 =	sor.u32 s29, s1;
	v21 =	vld.idx.msk [tilespmem:v13+s5+$0x0], $0xffff;
	[tilespmem:s20+$0x0] =	vst v6  }
0xe5: {  	s11 =	sor.u32 s25, s18;
	v14 =	vor.u32 $0x68, v7;
	v9 =	vld.idx.msk [tilespmem:v9+s5+$0x0], $0xffff;
	[tilespmem:s24+$0x0] =	vst v5  }
0xe6: {  	v24 =	vor.u32 $0x90, v3;
	v28 =	vor.u32 $0x40, v1;
	v25 =	vld.idx.msk [tilespmem:v17+s5+$0x0], $0xffff;
	[tilespmem:s11+$0x0] =	vst v15  }
0xe7: {  	v31 =	vor.u32 $0x70, v0;
	v30 =	vor.u32 $0x70, v7;
	v44 =	vor.u32 $0x48, v1;
	s16 =	sor.u32 s6, s15;
	[tilespmem:s7+$0x300] =	vst v12;
	v4 =	vld.idx.msk [tilespmem:v4+s5+$0x0], $0xffff  }
0xe8: {  	v33 =	vor.u32 $0x40, v11;
	v26 =	vor.u32 $0x48, v11;
	v27 =	vor.u32 $0x10, v2;
	v19 =	vld.idx.msk [tilespmem:v19+s5+$0x0], $0xffff;
	[tilespmem:s16+$0x0] =	vst v18  }
0xe9: {  	v23 =	vor.u32 $0x50, v11;
	s18 =	sadd.s32 $0x5380, s8;
	v35 =	vor.u32 $0x10, v16;
	v8 =	vor.u32 $0x88, v7;
	v29 =	vld.idx.msk [tilespmem:v20+s5+$0x0], $0xffff;
	[tilespmem:s13+$0x80] =	vst v21  }
0xea: {  	s2 =	sadd.s32 $0x9280, s2;
	v10 =	vor.u32 $0x80, v7;
	v13 =	vor.u32 $0x78, v7;
	v6 =	vor.u32 $0x98, v3;
	s20 =	sor.u32 s10, s18;
	v14 =	vld.idx.msk [tilespmem:v14+s5+$0x0], $0xffff;
	[tilespmem:s9+$0x380] =	vst v9  }
0xeb: {  	v3 =	vor.u32 $0x98, v7;
	v5 =	vor.u32 $0x90, v7;
	v17 =	vor.u32 $0x70, v11;
	s24 =	sor.u32 s29, s2;
	[tilespmem:s20+$0x0] =	vst v25;
	v39 =	vld.idx.msk [tilespmem:v28+s5+$0x0], $0xffff  }
0xec: {  	v15 =	vor.u32 $0x78, v11;
	v12 =	vor.u32 $0x80, v11;
	v7 =	vor.u32 $0x90, v11;
	[tilespmem:s24+$0x0] =	vst v4  }
0xed: {  	v20 =	vor.u32 $0x60, v11;
	v18 =	vor.u32 $0x68, v11;
	v21 =	vor.u32 $0x58, v11;
	v37 =	vld.idx.msk [tilespmem:v27+s5+$0x0], $0xffff;
	[tilespmem:s11+$0x80] =	vst v19  }
0xee: {  	s3 =	sor.u32 s6, s18;
	s15 =	sadd.s32 $0x5100, s17;
	v9 =	vor.u32 $0x88, v11;
	v4 =	vor.u32 $0x98, v11;
	v11 =	vor.u32 $0x18, v2;
	v41 =	vld.idx.msk [tilespmem:v31+s5+$0x0], $0xffff;
	[tilespmem:s7+$0x380] =	vst v29  }
0xef: {  	v36 =	vor.u32 $0x18, v16;
	v34 =	vor.u32 $0x20, v16;
	v32 =	vor.u32 $0x28, v16;
	s16 =	sor.u32 s21, s15;
	v42 =	vld.idx.msk [tilespmem:v35+s5+$0x0], $0xffff;
	[tilespmem:s3+$0x0] =	vst v14  }
0xf0: {  	v22 =	vor.u32 $0x68, v16;
	v27 =	vor.u32 $0x58, v16;
	v40 =	vld.idx.msk [tilespmem:v33+s5+$0x0], $0xffff;
	[tilespmem:s16+$0x0] =	vst v39;
	v39 =	vor.u32 $0x78, v0  }
0xf1: {  	s18 =	sadd.s32 $0x5400, s8;
	s29 =	sshll.u32 s26, $0xC;
	v28 =	vor.u32 $0x40, v16;
	v25 =	vor.u32 $0x60, v16;
	v31 =	vor.u32 $0x30, v16;
	v38 =	vld.idx.msk [tilespmem:v30+s5+$0x0], $0xffff  }
0xf2: {  	s30 =	sadd.s32 s4, s29;
	s20 =	sor.u32 s10, s18;
	v29 =	vor.u32 $0x38, v16;
	v19 =	vor.u32 $0x70, v16;
	v35 =	vor.u32 $0x48, v16;
	[tilespmem:s13+$0x100] =	vst v37;
	v37 =	vld.idx.msk [tilespmem:v24+s5+$0x0], $0xffff  }
0xf3: {  	s7 =	sor.u32 s0, s1;
	s0 =	sor.u32 s0, s2;
	s2 =	simm.s32 $0x6;
	v33 =	vor.u32 $0x50, v16;
	v14 =	vor.u32 $0x88, v16;
	v30 =	vor.u32 $0x78, v16;
	v43 =	vld.idx.msk [tilespmem:v11+s5+$0x0], $0xffff  }
0xf4: {  	s1 =	sor.u32 s19, s15;
	s24 =	sor.u32 s6, s18;
	s15 =	simm.s32 $0x400;
	v24 =	vor.u32 $0x80, v16;
	v11 =	vor.u32 $0x90, v16;
	v16 =	vor.u32 $0x98, v16;
	[tilespmem:s20+$0x0] =	vst v41;
	v41 =	vld.idx.msk [tilespmem:v44+s5+$0x0], $0xffff  }
.LBB2_3:
0xf5: {  	s20 =	sand.u32 $0x3C00, s15;
	[tilespmem:s11+$0x100] =	vst v42;
	v42 =	vor.u32 $0x20, v2;
	s31 =	sadd.s32 $0x20, s31;
	v39 =	vld.idx.msk [tilespmem:v39+s5+$0x0], $0xffff  }
0xf6: {  	s9 =	sand.u32 $0x60, s31;
	s3 =	sshrl.u32 s20, $0x2;
	v36 =	vld.idx.msk [tilespmem:v36+s5+$0x0], $0xffff;
	[tilespmem:s1+$0x0] =	vst v40;
	v40 =	vor.u32 $0x50, v1  }
0xf7: {  	s1 =	sadd.s32 $0x100, s3;
	s12 =	sor.u32 $0x10, s9;
	v44 =	vld.idx.msk [tilespmem:v26+s5+$0x0], $0xffff;
	[tilespmem:s24+$0x0] =	vst v38;
	v38 =	vor.u32 $0x80, v0;
	v26 =	vmov v35  }
0xf8: {  	s24 =	sadd.s32 $0x5180, s17;
	s3 =	sor.u32 s9, s1;
	s1 =	sor.u32 s12, s1;
	v35 =	vld.idx.msk [tilespmem:v13+s5+$0x0], $0xffff;
	[tilespmem:s7+$0x0] =	vst v37;
	v13 =	vmov v15;
	v15 =	vmov v30  }
0xf9: {  	s2 =	sadd.s32 $0x2, s2;
	s7 =	sadd.s32 $0x5480, s8;
	v30 =	vld [tilespmem:s1+$0x0];
	[tilespmem:s13+$0x180] =	vst v43;
	s1 =	sor.u32 s21, s24  }
0xfa: {  	p0 =	slt.u32 s2, $0x7E;
	s24 =	sor.u32 s19, s24;
	v37 =	vld.idx.msk [tilespmem:v42+s5+$0x0], $0xffff;
	[tilespmem:s1+$0x0] =	vst v41;
	s1 =	sor.u32 s10, s7  }
0xfb: {  	s7 =	sor.u32 s6, s7;
	v40 =	vld.idx.msk [tilespmem:v40+s5+$0x0], $0xffff;
	[tilespmem:s1+$0x0] =	vst v39  }
0xfc: {  	[tilespmem:s11+$0x180] =	vst v36;
	v36 =	vor.u32 $0x28, v2;
	v38 =	vld.idx.msk [tilespmem:v38+s5+$0x0], $0xffff  }
0xfd: {  	v41 =	vor.u32 $0x58, v1;
	v39 =	vld [tilespmem:s3+$0x0];
	[tilespmem:s24+$0x0] =	vst v44  }
0xfe: {  	v34 =	vld.idx.msk [tilespmem:v34+s5+$0x0], $0xffff;
	[tilespmem:s7+$0x0] =	vst v35;
	v35 =	vor.u32 $0x88, v0  }
0xff: {  	s1 =	sadd.s32 $0x5200, s17;
	v30 =	vadd.s32 $0x4, v30;
	v42 =	vld.idx.msk [tilespmem:v23+s5+$0x0], $0xffff;
	v23 =	vmov v33  }
0x100: {  	s3 =	sor.u32 s19, s1;
	s1 =	sor.u32 s21, s1;
	s7 =	sadd.s32 $0x9100, s8;
	vm0 =	vgt.s32 v30, $0x0;
	[tilespmem:s13+$0x200] =	vst v37;
	v33 =	vld.idx.msk [tilespmem:v10+s5+$0x0], $0xffff;
	v10 =	vmov v12;
	v12 =	vmov v24  }
0x101: {  	v24 =	vnsel vm0, $0x0, v30;
	v30 =	vld.idx.msk [tilespmem:v36+s5+$0x0], $0xffff;
	[tilespmem:s1+$0x0] =	vst v40;
	s1 =	sor.u32 s6, s7;
	s7 =	sor.u32 s10, s7  }
0x102: {  	v37 =	vmin.u32 v24, $0x7;
	v36 =	vadd.s32 $0x4, v39;
	v24 =	vld.idx.msk [tilespmem:v41+s5+$0x0], $0xffff;
	[tilespmem:s7+$0x0] =	vst v38  }
0x103: {  	v38 =	vor.u32 $0x30, v2;
	vm0 =	vgt.s32 v36, $0x0;
	v39 =	vld.idx.msk [tilespmem:v35+s5+$0x0], $0xffff  }
0x104: {  	v40 =	vor.u32 $0x60, v1;
	v35 =	vnsel vm0, $0x0, v36;
	[tilespmem:s11+$0x200] =	vst v34;
	v41 =	vld.idx.msk [tilespmem:v6+s5+$0x0], $0xffff;
	v6 =	vmovc v3;
	v3 =	vmovc v4;
	v4 =	vmov v16  }
0x105: {  	v16 =	vmin.u32 v35, $0x7;
	v43 =	vld.idx.msk [tilespmem:v32+s5+$0x0], $0xffff;
	[tilespmem:s3+$0x0] =	vst v42;
	v42 =	vor.u32 $0x90, v0  }
0x106: {  	s3 =	sadd.s32 $0x5280, s17;
	v44 =	vor.u32 $0x8, v16;
	v45 =	vor.u32 $0x10, v16;
	v36 =	vor.u32 $0x18, v16;
	v46 =	vld.idx.msk [tilespmem:v21+s5+$0x0], $0xffff;
	[tilespmem:s1+$0x0] =	vst v33;
	v21 =	vmovc v27  }
0x107: {  	v34 =	vor.u32 $0x20, v16;
	v32 =	vor.u32 $0x28, v16;
	v47 =	vor.u32 $0x30, v16;
	s7 =	sor.u32 s19, s3;
	s1 =	sor.u32 s21, s3;
	s3 =	sadd.s32 $0x9180, s8;
	v48 =	vld.idx.msk [tilespmem:v37+s5+$0x0], $0xffff;
	[tilespmem:s13+$0x280] =	vst v30  }
0x108: {  	v49 =	vor.u32 $0x38, v16;
	v50 =	vor.u32 $0x40, v16;
	v35 =	vor.u32 $0x48, v16;
	s24 =	sor.u32 s6, s3;
	v38 =	vld.idx.msk [tilespmem:v38+s5+$0x0], $0xffff;
	[tilespmem:s1+$0x0] =	vst v24;
	s1 =	sor.u32 s10, s3  }
0x109: {  	v51 =	vor.u32 $0x8, v37;
	v33 =	vor.u32 $0x50, v16;
	v27 =	vor.u32 $0x58, v16;
	v40 =	vld.idx.msk [tilespmem:v40+s5+$0x0], $0xffff;
	[tilespmem:s1+$0x0] =	vst v39  }
0x10a: {  	v53 =	vor.u32 $0x38, v2;
	v52 =	vor.u32 $0x68, v16;
	v39 =	vor.u32 $0x60, v16;
	v42 =	vld.idx.msk [tilespmem:v42+s5+$0x0], $0xffff;
	[tilespmem:s0+$0x0] =	vst v41  }
0x10b: {  	v54 =	vor.u32 $0x70, v16;
	v30 =	vor.u32 $0x78, v16;
	s0 =	sadd.s32 $0x1100, s20;
	v41 =	vld.idx.msk [tilespmem:v16+s5+$0x0], $0xffff;
	[tilespmem:s11+$0x280] =	vst v43;
	v43 =	vor.u32 $0x68, v1  }
0x10c: {  	v55 =	vor.u32 $0x88, v16;
	v24 =	vor.u32 $0x80, v16;
	s3 =	sor.u32 s9, s0;
	s1 =	sor.u32 s12, s0;
	v56 =	vld.idx.msk [tilespmem:v31+s5+$0x0], $0xffff;
	[tilespmem:s7+$0x0] =	vst v46;
	v46 =	vor.u32 $0x98, v0;
	v0 =	vmovc v1;
	v1 =	vmovc v2  }
0x10d: {  	v57 =	vor.u32 $0x90, v16;
	v16 =	vor.u32 $0x98, v16;
	s0 =	sadd.s32 $0x5300, s17;
	v2 =	vmovc v37;
	v31 =	vmovc v47;
	[tilespmem:s1+$0x0] =	vst v48;
	v48 =	vld.idx.msk [tilespmem:v20+s5+$0x0], $0xffff;
	v20 =	vmov v25  }
0x10e: {  	s18 =	sadd.s32 $0x9200, s8;
	s16 =	sor.u32 s19, s0;
	s0 =	sor.u32 s21, s0;
	v25 =	vmov v39;
	v37 =	vld.idx.msk [tilespmem:v51+s5+$0x0], $0xffff;
	[tilespmem:s13+$0x300] =	vst v38  }
0x10f: {  	s7 =	sor.u32 s6, s18;
	v38 =	vld.idx.msk [tilespmem:v53+s5+$0x0], $0xffff;
	[tilespmem:s0+$0x0] =	vst v40;
	s0 =	sor.u32 s10, s18  }
0x110: {  	v39 =	vld.idx.msk [tilespmem:v43+s5+$0x0], $0xffff;
	[tilespmem:s0+$0x0] =	vst v42  }
0x111: {  	v40 =	vor.u32 $0x10, v2;
	[tilespmem:s3+$0x0] =	vst v41;
	v41 =	vld.idx.msk [tilespmem:v46+s5+$0x0], $0xffff  }
0x112: {  	v43 =	vor.u32 $0x40, v1;
	v42 =	vld.idx.msk [tilespmem:v44+s5+$0x0], $0xffff;
	[tilespmem:s11+$0x300] =	vst v56  }
0x113: {  	v46 =	vor.u32 $0x70, v0;
	v44 =	vld.idx.msk [tilespmem:v29+s5+$0x0], $0xffff;
	[tilespmem:s16+$0x0] =	vst v48;
	v29 =	vmov v49  }
0x114: {  	s0 =	sadd.s32 $0x5380, s17;
	[tilespmem:s1+$0x80] =	vst v37;
	v37 =	vld.idx.msk [tilespmem:v18+s5+$0x0], $0xffff;
	v18 =	vmov v22;
	v22 =	vmov v52  }
0x115: {  	s8 =	sadd.s32 $0x9280, s8;
	[tilespmem:s13+$0x380] =	vst v38;
	s13 =	sor.u32 s19, s0;
	s0 =	sor.u32 s21, s0;
	v47 =	vld.idx.msk [tilespmem:v8+s5+$0x0], $0xffff;
	v8 =	vmov v9;
	v9 =	vmov v14;
	v14 =	vmov v55  }
0x116: {  	v48 =	vld.idx.msk [tilespmem:v40+s5+$0x0], $0xffff;
	[tilespmem:s0+$0x0] =	vst v39;
	s0 =	sor.u32 s6, s8;
	s6 =	sor.u32 s10, s8;
	s8 =	smov.u32 s17  }
0x117: {  	s17 =	smov.u32 s23;
	s23 =	smov.u32 s20;
	v49 =	vld.idx.msk [tilespmem:v43+s5+$0x0], $0xffff;
	[tilespmem:s6+$0x0] =	vst v41;
	s6 =	smov.u32 s19  }
0x118: {  	s10 =	smov.u32 s21;
	v41 =	vor.u32 $0x18, v2;
	s19 =	smov.u32 s25;
	s25 =	smov.u32 s9;
	[tilespmem:s3+$0x80] =	vst v42;
	v46 =	vld.idx.msk [tilespmem:v46+s5+$0x0], $0xffff  }
0x119: {  	s21 =	smov.u32 s28;
	s28 =	smov.u32 s12;
	v42 =	vld.idx.msk [tilespmem:v45+s5+$0x0], $0xffff;
	[tilespmem:s11+$0x380] =	vst v44;
	v44 =	vor.u32 $0x48, v1;
	s11 =	smov.u32 s3  }
.Ltmp2:
0x11a: {  	v39 =	vor.u32 $0x78, v0;
	v40 =	vld.idx.msk [tilespmem:v28+s5+$0x0], $0xffff;
	[tilespmem:s13+$0x0] =	vst v37;
	v28 =	vmov v50;
	s13 =	smov.u32 s1;
	(pc) =	sbr.rel @p0 .LBB2_3-.Ltmp2, $4  }
0x11b: {  	s3 =	sadd.s32 $0x5100, s17;
	v38 =	vld.idx.msk [tilespmem:v17+s5+$0x0], $0xffff;
	[tilespmem:s24+$0x0] =	vst v47;
	v17 =	vmov v19;
	v19 =	vmov v54  }
0x11c: {  	s9 =	sadd.s32 $0x5400, s8;
	s1 =	sor.u32 s19, s3;
	s3 =	sor.u32 s21, s3;
	[tilespmem:s13+$0x100] =	vst v48;
	v37 =	vld.idx.msk [tilespmem:v5+s5+$0x0], $0xffff;
	v5 =	vmov v7;
	v7 =	vmov v11;
	v11 =	vmov v57  }
0x11d: {  	s24 =	sor.u32 s6, s9;
	v43 =	vld.idx.msk [tilespmem:v41+s5+$0x0], $0xffff;
	[tilespmem:s3+$0x0] =	vst v49;
	s3 =	sor.u32 s10, s9  }
0x11e: {  	s15 =	sadd.s32 $0x100, s15;
	v41 =	vld.idx.msk [tilespmem:v44+s5+$0x0], $0xffff;
	[tilespmem:s3+$0x0] =	vst v46  }
0x11f: {  	_ =	sdelay $0x2  }
0x120: {  	[tilespmem:s11+$0x100] =	vst v42  }
0x121: {  	v54 =	vor.u32 $0x20, v2;
	v36 =	vld.idx.msk [tilespmem:v36+s5+$0x0], $0xffff;
	_ =	sdelay $0x3  }
0x122: {  	[tilespmem:s13+$0x180] =	vst v43  }
0x123: {  	v42 =	vld.idx.msk [tilespmem:v54+s5+$0x0], $0xffff;
	[tilespmem:s11+$0x180] =	vst v36  }
0x124: {  	v55 =	vor.u32 $0x28, v2;
	v34 =	vld.idx.msk [tilespmem:v34+s5+$0x0], $0xffff;
	_ =	sdelay $0x3  }
0x125: {  	[tilespmem:s13+$0x200] =	vst v42  }
0x126: {  	v36 =	vld.idx.msk [tilespmem:v55+s5+$0x0], $0xffff;
	[tilespmem:s11+$0x200] =	vst v34  }
0x127: {  	v56 =	vor.u32 $0x30, v2;
	v32 =	vld.idx.msk [tilespmem:v32+s5+$0x0], $0xffff;
	_ =	sdelay $0x3  }
0x128: {  	[tilespmem:s13+$0x280] =	vst v36  }
0x129: {  	v34 =	vld.idx.msk [tilespmem:v56+s5+$0x0], $0xffff;
	[tilespmem:s11+$0x280] =	vst v32  }
0x12a: {  	v57 =	vor.u32 $0x38, v2;
	v31 =	vld.idx.msk [tilespmem:v31+s5+$0x0], $0xffff;
	_ =	sdelay $0x3  }
0x12b: {  	[tilespmem:s13+$0x300] =	vst v34  }
0x12c: {  	v32 =	vld.idx.msk [tilespmem:v57+s5+$0x0], $0xffff;
	[tilespmem:s11+$0x300] =	vst v31  }
0x12d: {  	v31 =	vor.u32 $0x40, v2;
	v29 =	vld.idx.msk [tilespmem:v29+s5+$0x0], $0xffff;
	_ =	sdelay $0x3  }
0x12e: {  	[tilespmem:s13+$0x380] =	vst v32  }
0x12f: {  	v31 =	vld.idx.msk [tilespmem:v31+s5+$0x0], $0xffff;
	[tilespmem:s11+$0x380] =	vst v29  }
0x130: {  	v29 =	vor.u32 $0x48, v2;
	v28 =	vld.idx.msk [tilespmem:v28+s5+$0x0], $0xffff;
	_ =	sdelay $0x1  }
0x131: {  	s2 =	sadd.s32 $0x5100, s23  }
0x132: {  	[tilespmem:s1+$0x0] =	vst v40;
	s31 =	sor.u32 s28, s2  }
0x133: {  	v58 =	vor.u32 $0x50, v1;
	v26 =	vld.idx.msk [tilespmem:v26+s5+$0x0], $0xffff;
	s2 =	sor.u32 s25, s2;
	[tilespmem:s31+$0x0] =	vst v31  }
0x134: {  	v29 =	vld.idx.msk [tilespmem:v29+s5+$0x0], $0xffff;
	[tilespmem:s2+$0x0] =	vst v28  }
0x135: {  	s2 =	sadd.s32 $0x5180, s17;
	v28 =	vor.u32 $0x50, v2;
	v31 =	vld.idx.msk [tilespmem:v35+s5+$0x0], $0xffff  }
0x136: {  	s3 =	sor.u32 s21, s2  }
0x137: {  	s9 =	sadd.s32 $0x5180, s23;
	s1 =	sor.u32 s19, s2;
	[tilespmem:s3+$0x0] =	vst v41  }
0x138: {  	s11 =	sor.u32 s28, s9;
	[tilespmem:s1+$0x0] =	vst v26;
	v32 =	vld.idx.msk [tilespmem:v58+s5+$0x0], $0xffff  }
0x139: {  	s2 =	sor.u32 s25, s9;
	v26 =	vor.u32 $0x58, v1;
	v23 =	vld.idx.msk [tilespmem:v23+s5+$0x0], $0xffff;
	[tilespmem:s11+$0x0] =	vst v29  }
0x13a: {  	v28 =	vld.idx.msk [tilespmem:v28+s5+$0x0], $0xffff;
	[tilespmem:s2+$0x0] =	vst v31  }
0x13b: {  	s12 =	sadd.s32 $0x5200, s17;
	v29 =	vor.u32 $0x58, v2;
	v31 =	vld.idx.msk [tilespmem:v33+s5+$0x0], $0xffff  }
0x13c: {  	s13 =	sor.u32 s21, s12  }
0x13d: {  	s15 =	sadd.s32 $0x5200, s23;
	s1 =	sor.u32 s19, s12;
	[tilespmem:s13+$0x0] =	vst v32  }
0x13e: {  	s16 =	sor.u32 s28, s15;
	[tilespmem:s1+$0x0] =	vst v23;
	v26 =	vld.idx.msk [tilespmem:v26+s5+$0x0], $0xffff  }
0x13f: {  	s2 =	sor.u32 s25, s15;
	v23 =	vor.u32 $0x60, v1;
	v21 =	vld.idx.msk [tilespmem:v21+s5+$0x0], $0xffff;
	[tilespmem:s16+$0x0] =	vst v28  }
0x140: {  	v28 =	vld.idx.msk [tilespmem:v29+s5+$0x0], $0xffff;
	[tilespmem:s2+$0x0] =	vst v31  }
0x141: {  	s18 =	sadd.s32 $0x5280, s17;
	v29 =	vor.u32 $0x60, v2;
	v27 =	vld.idx.msk [tilespmem:v27+s5+$0x0], $0xffff  }
0x142: {  	s20 =	sor.u32 s21, s18  }
0x143: {  	s31 =	sadd.s32 $0x5280, s23;
	s1 =	sor.u32 s19, s18;
	[tilespmem:s20+$0x0] =	vst v26  }
0x144: {  	s3 =	sor.u32 s28, s31;
	[tilespmem:s1+$0x0] =	vst v21;
	v23 =	vld.idx.msk [tilespmem:v23+s5+$0x0], $0xffff  }
0x145: {  	s2 =	sor.u32 s25, s31;
	v21 =	vor.u32 $0x68, v1;
	v20 =	vld.idx.msk [tilespmem:v20+s5+$0x0], $0xffff;
	[tilespmem:s3+$0x0] =	vst v28  }
0x146: {  	v26 =	vld.idx.msk [tilespmem:v29+s5+$0x0], $0xffff;
	[tilespmem:s2+$0x0] =	vst v27  }
0x147: {  	s9 =	sadd.s32 $0x5300, s17;
	v27 =	vor.u32 $0x68, v2;
	v25 =	vld.idx.msk [tilespmem:v25+s5+$0x0], $0xffff  }
0x148: {  	s11 =	sor.u32 s21, s9  }
0x149: {  	s12 =	sadd.s32 $0x5300, s23;
	s1 =	sor.u32 s19, s9;
	[tilespmem:s11+$0x0] =	vst v23  }
0x14a: {  	s13 =	sor.u32 s28, s12;
	[tilespmem:s1+$0x0] =	vst v20;
	v21 =	vld.idx.msk [tilespmem:v21+s5+$0x0], $0xffff  }
0x14b: {  	s2 =	sor.u32 s25, s12;
	v20 =	vor.u32 $0x70, v1;
	v18 =	vld.idx.msk [tilespmem:v18+s5+$0x0], $0xffff;
	[tilespmem:s13+$0x0] =	vst v26  }
0x14c: {  	v23 =	vld.idx.msk [tilespmem:v27+s5+$0x0], $0xffff;
	[tilespmem:s2+$0x0] =	vst v25  }
0x14d: {  	s15 =	sadd.s32 $0x5380, s17;
	v25 =	vor.u32 $0x70, v2;
	v22 =	vld.idx.msk [tilespmem:v22+s5+$0x0], $0xffff  }
0x14e: {  	[tilespmem:s24+$0x0] =	vst v38;
	s16 =	sor.u32 s21, s15  }
0x14f: {  	v13 =	vld.idx.msk [tilespmem:v13+s5+$0x0], $0xffff;
	s18 =	sadd.s32 $0x5380, s23;
	s1 =	sor.u32 s19, s15;
	[tilespmem:s16+$0x0] =	vst v21  }
0x150: {  	s20 =	sor.u32 s28, s18;
	[tilespmem:s1+$0x0] =	vst v18;
	v20 =	vld.idx.msk [tilespmem:v20+s5+$0x0], $0xffff  }
0x151: {  	s2 =	sor.u32 s25, s18;
	v18 =	vor.u32 $0x78, v1;
	v17 =	vld.idx.msk [tilespmem:v17+s5+$0x0], $0xffff;
	[tilespmem:s20+$0x0] =	vst v23  }
0x152: {  	s24 =	sadd.s32 $0x5480, s8;
	v23 =	vld.idx.msk [tilespmem:v25+s5+$0x0], $0xffff;
	[tilespmem:s2+$0x0] =	vst v22  }
0x153: {  	[tilespmem:s7+$0x0] =	vst v37;
	s3 =	sadd.s32 $0x5400, s17;
	s1 =	sor.u32 s6, s24;
	v22 =	vor.u32 $0x78, v2;
	v19 =	vld.idx.msk [tilespmem:v19+s5+$0x0], $0xffff  }
0x154: {  	s7 =	sor.u32 s21, s3;
	v26 =	vld.idx.msk [tilespmem:v39+s5+$0x0], $0xffff;
	[tilespmem:s1+$0x0] =	vst v13  }
0x155: {  	s9 =	sadd.s32 $0x5400, s23;
	s3 =	sor.u32 s19, s3;
	v21 =	vor.u32 $0x80, v0;
	v10 =	vld.idx.msk [tilespmem:v10+s5+$0x0], $0xffff;
	[tilespmem:s7+$0x0] =	vst v20  }
0x156: {  	s11 =	sor.u32 s28, s9;
	[tilespmem:s3+$0x0] =	vst v17;
	v18 =	vld.idx.msk [tilespmem:v18+s5+$0x0], $0xffff  }
0x157: {  	s2 =	sor.u32 s25, s9;
	v17 =	vor.u32 $0x80, v1;
	v15 =	vld.idx.msk [tilespmem:v15+s5+$0x0], $0xffff;
	[tilespmem:s11+$0x0] =	vst v23  }
0x158: {  	s31 =	sor.u32 s10, s24;
	s12 =	sadd.s32 $0x9100, s8;
	v22 =	vld.idx.msk [tilespmem:v22+s5+$0x0], $0xffff;
	[tilespmem:s2+$0x0] =	vst v19  }
0x159: {  	s15 =	sadd.s32 $0x5480, s17;
	s24 =	sor.u32 s6, s12;
	[tilespmem:s31+$0x0] =	vst v26;
	v13 =	vor.u32 $0x80, v2;
	v19 =	vld.idx.msk [tilespmem:v30+s5+$0x0], $0xffff  }
0x15a: {  	s16 =	sor.u32 s21, s15;
	v21 =	vld.idx.msk [tilespmem:v21+s5+$0x0], $0xffff;
	[tilespmem:s24+$0x0] =	vst v10  }
0x15b: {  	v6 =	vld.idx.msk [tilespmem:v6+s5+$0x0], $0xffff;
	s18 =	sadd.s32 $0x5480, s23;
	v20 =	vor.u32 $0x88, v0;
	s2 =	sor.u32 s19, s15;
	[tilespmem:s16+$0x0] =	vst v18  }
0x15c: {  	s20 =	sor.u32 s28, s18;
	[tilespmem:s2+$0x0] =	vst v15;
	v17 =	vld.idx.msk [tilespmem:v17+s5+$0x0], $0xffff  }
0x15d: {  	s1 =	sor.u32 s25, s18;
	v15 =	vor.u32 $0x88, v1;
	v12 =	vld.idx.msk [tilespmem:v12+s5+$0x0], $0xffff;
	[tilespmem:s20+$0x0] =	vst v22  }
0x15e: {  	s13 =	sor.u32 s10, s12;
	v13 =	vld.idx.msk [tilespmem:v13+s5+$0x0], $0xffff;
	[tilespmem:s1+$0x0] =	vst v19  }
0x15f: {  	s9 =	sadd.s32 $0x9100, s17;
	v10 =	vor.u32 $0x88, v2;
	[tilespmem:s13+$0x0] =	vst v21;
	v18 =	vld.idx.msk [tilespmem:v24+s5+$0x0], $0xffff  }
0x160: {  	[tilespmem:s0+$0x0] =	vst v6;
	s11 =	sor.u32 s21, s9;
	v20 =	vld.idx.msk [tilespmem:v20+s5+$0x0], $0xffff  }
0x161: {  	s12 =	sadd.s32 $0x9100, s23;
	v8 =	vld.idx.msk [tilespmem:v8+s5+$0x0], $0xffff;
	s2 =	sor.u32 s19, s9;
	v19 =	vor.u32 $0x90, v0;
	[tilespmem:s11+$0x0] =	vst v17  }
0x162: {  	s13 =	sor.u32 s28, s12;
	[tilespmem:s2+$0x0] =	vst v12;
	v15 =	vld.idx.msk [tilespmem:v15+s5+$0x0], $0xffff  }
0x163: {  	s31 =	sadd.s32 $0x9180, s8;
	s1 =	sor.u32 s25, s12;
	v12 =	vor.u32 $0x90, v1;
	v9 =	vld.idx.msk [tilespmem:v9+s5+$0x0], $0xffff;
	[tilespmem:s13+$0x0] =	vst v13  }
0x164: {  	s7 =	sor.u32 s10, s31;
	v10 =	vld.idx.msk [tilespmem:v10+s5+$0x0], $0xffff;
	[tilespmem:s1+$0x0] =	vst v18  }
0x165: {  	v6 =	vor.u32 $0x90, v2;
	s15 =	sor.u32 s6, s31;
	s16 =	sadd.s32 $0x9180, s17;
	[tilespmem:s7+$0x0] =	vst v20;
	v13 =	vld.idx.msk [tilespmem:v14+s5+$0x0], $0xffff  }
0x166: {  	[tilespmem:s15+$0x0] =	vst v8;
	s18 =	sor.u32 s21, s16;
	v14 =	vld.idx.msk [tilespmem:v19+s5+$0x0], $0xffff  }
0x167: {  	s0 =	sor.u32 s19, s16;
	v5 =	vld.idx.msk [tilespmem:v5+s5+$0x0], $0xffff;
	s20 =	sadd.s32 $0x9180, s23;
	v0 =	vor.u32 $0x98, v0;
	[tilespmem:s18+$0x0] =	vst v15  }
0x168: {  	s24 =	sor.u32 s28, s20;
	[tilespmem:s0+$0x0] =	vst v9;
	v8 =	vld.idx.msk [tilespmem:v12+s5+$0x0], $0xffff  }
0x169: {  	s31 =	sadd.s32 $0x9200, s8;
	v1 =	vor.u32 $0x98, v1;
	s1 =	sor.u32 s25, s20;
	v7 =	vld.idx.msk [tilespmem:v7+s5+$0x0], $0xffff;
	[tilespmem:s24+$0x0] =	vst v10  }
0x16a: {  	s3 =	sor.u32 s10, s31;
	v6 =	vld.idx.msk [tilespmem:v6+s5+$0x0], $0xffff;
	[tilespmem:s1+$0x0] =	vst v13  }
0x16b: {  	v2 =	vor.u32 $0x98, v2;
	s9 =	sadd.s32 $0x9200, s17;
	s7 =	sor.u32 s6, s31;
	[tilespmem:s3+$0x0] =	vst v14;
	v9 =	vld.idx.msk [tilespmem:v11+s5+$0x0], $0xffff  }
0x16c: {  	s11 =	sor.u32 s21, s9;
	[tilespmem:s7+$0x0] =	vst v5;
	v0 =	vld.idx.msk [tilespmem:v0+s5+$0x0], $0xffff  }
0x16d: {  	s12 =	sadd.s32 $0x9200, s23;
	v3 =	vld.idx.msk [tilespmem:v3+s5+$0x0], $0xffff;
	s0 =	sor.u32 s19, s9;
	[tilespmem:s11+$0x0] =	vst v8  }
0x16e: {  	s13 =	sor.u32 s28, s12;
	[tilespmem:s0+$0x0] =	vst v7;
	v1 =	vld.idx.msk [tilespmem:v1+s5+$0x0], $0xffff  }
0x16f: {  	s15 =	sadd.s32 $0x9280, s8;
	s1 =	sor.u32 s25, s12;
	v4 =	vld.idx.msk [tilespmem:v4+s5+$0x0], $0xffff;
	[tilespmem:s13+$0x0] =	vst v6  }
0x170: {  	s16 =	sor.u32 s10, s15;
	v2 =	vld.idx.msk [tilespmem:v2+s5+$0x0], $0xffff;
	[tilespmem:s1+$0x0] =	vst v9  }
0x171: {  	s20 =	sadd.s32 $0x9280, s17;
	s18 =	sor.u32 s6, s15;
	[tilespmem:s16+$0x0] =	vst v0;
	v0 =	vld.idx.msk [tilespmem:v16+s5+$0x0], $0xffff  }
0x172: {  	[tilespmem:s18+$0x0] =	vst v3;
	s24 =	sor.u32 s21, s20  }
0x173: {  	p0 =	seq.s32 s26, $0x18;
	s31 =	sadd.s32 $0x9280, s23;
	s0 =	sor.u32 s19, s20;
	[tilespmem:s24+$0x0] =	vst v1  }
0x174: {  	s2 =	sor.u32 s28, s31;
	s6 =	simm.s32 $0x1100;
	s18 =	rddreg [dreg:$0x2];
	[tilespmem:s0+$0x0] =	vst v4  }
0x175: {  	s3 =	sadd.s32 s18, s30;
	s20 =	simm.s32 $0x4000;
	s1 =	sor.u32 s25, s31;
	[tilespmem:s2+$0x0] =	vst v2  }
0x176: {  	s24 =	simm.s32 $0x1900000;
	s0 =	sshrl.u32 @!p0 s30, $0x3;
	[tilespmem:s1+$0x0] =	vst v0;
	s1 =	rddreg [dreg:$0x0]  }
0x177: {  	[hbm4b:s3+s20] =	stream.strided.scatter [tilespmem:s6], [sflag:$0x3], $0xC000, s24, s20, $0x38;
	[tilespmem:$0x19100] =	vst v63  }
0x178: {  	s0 =	sadd.s32 @!p0 s1, s0  }
0x179: {  	s2 =	simm.s32 @!p0 $0x0;
	s3 =	simm.s32 @!p0 $0x100;
	s1 =	sadd.s32 @!p0 $0x200, s0  }
0x17a: {  	[tilespmem:s3], [sflag:$0x1] =	stream.linear.gather @!p0 [hbm4b:s1+s2], $0x80, $0x38;
	[tilespmem:$0x19100] =	vst v63  }
0x17b: {  	s1 =	sadd.s32 @!p0 $0x210, s0;
	s3 =	simm.s32 @!p0 $0x200  }
0x17c: {  	[tilespmem:s3], [sflag:$0x1] =	stream.linear.gather @!p0 [hbm4b:s1+s2], $0x80, $0x38;
	[tilespmem:$0x19100] =	vst v63  }
0x17d: {  	s1 =	sadd.s32 @!p0 $0x220, s0;
	s3 =	simm.s32 @!p0 $0x300  }
0x17e: {  	[tilespmem:s3], [sflag:$0x1] =	stream.linear.gather @!p0 [hbm4b:s1+s2], $0x80, $0x38;
	[tilespmem:$0x19100] =	vst v63  }
0x17f: {  	s1 =	sadd.s32 @!p0 $0x230, s0;
	s3 =	simm.s32 @!p0 $0x400  }
0x180: {  	[tilespmem:s3], [sflag:$0x1] =	stream.linear.gather @!p0 [hbm4b:s1+s2], $0x80, $0x38;
	[tilespmem:$0x19100] =	vst v63  }
0x181: {  	s1 =	sadd.s32 @!p0 $0x240, s0;
	s3 =	simm.s32 @!p0 $0x500  }
0x182: {  	[tilespmem:s3], [sflag:$0x1] =	stream.linear.gather @!p0 [hbm4b:s1+s2], $0x80, $0x38;
	[tilespmem:$0x19100] =	vst v63  }
0x183: {  	s1 =	sadd.s32 @!p0 $0x250, s0;
	s3 =	simm.s32 @!p0 $0x600  }
0x184: {  	[tilespmem:s3], [sflag:$0x1] =	stream.linear.gather @!p0 [hbm4b:s1+s2], $0x80, $0x38;
	[tilespmem:$0x19100] =	vst v63  }
0x185: {  	s1 =	sadd.s32 @!p0 $0x260, s0;
	s3 =	simm.s32 @!p0 $0x700  }
0x186: {  	[tilespmem:s3], [sflag:$0x1] =	stream.linear.gather @!p0 [hbm4b:s1+s2], $0x80, $0x38;
	[tilespmem:$0x19100] =	vst v63  }
0x187: {  	s1 =	sadd.s32 @!p0 $0x270, s0;
	s3 =	simm.s32 @!p0 $0x800  }
0x188: {  	[tilespmem:s3], [sflag:$0x1] =	stream.linear.gather @!p0 [hbm4b:s1+s2], $0x80, $0x38;
	[tilespmem:$0x19100] =	vst v63  }
0x189: {  	s1 =	sadd.s32 @!p0 $0x280, s0;
	s3 =	simm.s32 @!p0 $0x900  }
0x18a: {  	[tilespmem:s3], [sflag:$0x1] =	stream.linear.gather @!p0 [hbm4b:s1+s2], $0x80, $0x38;
	[tilespmem:$0x19100] =	vst v63  }
0x18b: {  	s1 =	sadd.s32 @!p0 $0x290, s0;
	s3 =	simm.s32 @!p0 $0xA00  }
0x18c: {  	[tilespmem:s3], [sflag:$0x1] =	stream.linear.gather @!p0 [hbm4b:s1+s2], $0x80, $0x38;
	[tilespmem:$0x19100] =	vst v63  }
0x18d: {  	s1 =	sadd.s32 @!p0 $0x2A0, s0;
	s3 =	simm.s32 @!p0 $0xB00  }
0x18e: {  	[tilespmem:s3], [sflag:$0x1] =	stream.linear.gather @!p0 [hbm4b:s1+s2], $0x80, $0x38;
	[tilespmem:$0x19100] =	vst v63  }
0x18f: {  	s1 =	sadd.s32 @!p0 $0x2B0, s0;
	s3 =	simm.s32 @!p0 $0xC00  }
0x190: {  	[tilespmem:s3], [sflag:$0x1] =	stream.linear.gather @!p0 [hbm4b:s1+s2], $0x80, $0x38;
	[tilespmem:$0x19100] =	vst v63  }
0x191: {  	s1 =	sadd.s32 @!p0 $0x2C0, s0;
	s3 =	simm.s32 @!p0 $0xD00  }
0x192: {  	[tilespmem:s3], [sflag:$0x1] =	stream.linear.gather @!p0 [hbm4b:s1+s2], $0x80, $0x38;
	[tilespmem:$0x19100] =	vst v63  }
0x193: {  	s1 =	sadd.s32 @!p0 $0x2D0, s0;
	s3 =	simm.s32 @!p0 $0xE00  }
0x194: {  	[tilespmem:s3], [sflag:$0x1] =	stream.linear.gather @!p0 [hbm4b:s1+s2], $0x80, $0x38;
	[tilespmem:$0x19100] =	vst v63  }
0x195: {  	s1 =	sadd.s32 @!p0 $0x2E0, s0;
	s3 =	simm.s32 @!p0 $0xF00  }
0x196: {  	[tilespmem:s3], [sflag:$0x1] =	stream.linear.gather @!p0 [hbm4b:s1+s2], $0x80, $0x38;
	[tilespmem:$0x19100] =	vst v63  }
0x197: {  	s0 =	sadd.s32 @!p0 $0x2F0, s0;
	s1 =	simm.s32 @!p0 $0x1000  }
0x198: {  	[tilespmem:s1], [sflag:$0x1] =	stream.linear.gather @!p0 [hbm4b:s0+s2], $0x80, $0x38;
	[tilespmem:$0x19100] =	vst v63  }
0x199: {  	_ =	swait.ge [sflag:s22], $0x800  }
0x19a: {  	s7 =	simm.s32 $0x0;
	[sflag:s22] =	ssyncset.done $0x0  }
0x19b: {  	s1 =	simm.s32 @!p1 $0x4;
	s2 =	sand.u32 $0x3C00, s7;
	[sflag:s22] =	ssyncadd.s32 $0xFFFFF800  }
0x19c: {  	s31 =	sand.u32 $0x60, s7;
	s8 =	sshrl.u32 s2, $0x2;
	_ =	swait.ge @!p1 [sflag:s1], $0xC000  }
0x19d: {  	s0 =	sor.u32 $0x10, s31;
	s9 =	sadd.s32 $0x100, s8;
	[sflag:s1] =	ssyncset.done @!p1 $0x0  }
0x19e: {  	s10 =	sor.u32 s0, s9;
	[sflag:s1] =	ssyncadd.s32 @!p1 $0xFFFF4000  }
0x19f: {  	v0 =	vld [tilespmem:s10+$0x80]  }
0x1a0: {  	s11 =	sor.u32 s31, s9  }
0x1a1: {  	v1 =	vld [tilespmem:s11+$0x80];
	_ =	sdelay $0x2  }
0x1a2: {  	v0 =	vadd.s32 $0x4, v0  }
0x1a3: {  	vm0 =	vgt.s32 v0, $0x0  }
0x1a4: {  	v1 =	vadd.s32 $0x4, v1;
	v0 =	vnsel vm0, $0x0, v0  }
0x1a5: {  	vm9 =	vgt.s32 v1, $0x0;
	v4 =	vmin.u32 v0, $0x7  }
0x1a6: {  	v0 =	vnsel vm9, $0x0, v1  }
0x1a7: {  	v3 =	vmin.u32 v0, $0x7;
	_ =	sdelay $0x2  }
0x1a8: {  	v0 =	vld.idx.msk [tilespmem:v4+s5+$0x0], $0xffff  }
0x1a9: {  	v1 =	vor.u32 $0x8, v4  }
0x1aa: {  	v2 =	vld.idx.msk [tilespmem:v3+s5+$0x0], $0xffff  }
0x1ab: {  	s12 =	sadd.s32 $0xD100, s2;
	v5 =	vor.u32 $0x8, v3  }
0x1ac: {  	s13 =	sor.u32 s0, s12  }
0x1ad: {  	[tilespmem:s13+$0x0] =	vst v0  }
0x1ae: {  	s1 =	sor.u32 s31, s12;
	v0 =	vld.idx.msk [tilespmem:v1+s5+$0x0], $0xffff  }
0x1af: {  	v1 =	vor.u32 $0x10, v4;
	[tilespmem:s1+$0x0] =	vst v2  }
0x1b0: {  	v2 =	vld.idx.msk [tilespmem:v5+s5+$0x0], $0xffff  }
0x1b1: {  	s15 =	sadd.s32 $0xD180, s2;
	v5 =	vor.u32 $0x10, v3  }
0x1b2: {  	s16 =	sor.u32 s0, s15  }
0x1b3: {  	[tilespmem:s16+$0x0] =	vst v0  }
0x1b4: {  	s1 =	sor.u32 s31, s15;
	v0 =	vld.idx.msk [tilespmem:v1+s5+$0x0], $0xffff  }
0x1b5: {  	v1 =	vor.u32 $0x18, v4;
	[tilespmem:s1+$0x0] =	vst v2  }
0x1b6: {  	v2 =	vld.idx.msk [tilespmem:v5+s5+$0x0], $0xffff  }
0x1b7: {  	s17 =	sadd.s32 $0xD200, s2;
	v5 =	vor.u32 $0x18, v3  }
0x1b8: {  	s19 =	sor.u32 s0, s17  }
0x1b9: {  	s21 =	simm.s32 $0x100;
	[tilespmem:s19+$0x0] =	vst v0  }
0x1ba: {  	s23 =	simm.s32 $0x20;
	s6 =	sand.u32 $0x3C00, s21;
	s1 =	sor.u32 s31, s17;
	v0 =	vld.idx.msk [tilespmem:v1+s5+$0x0], $0xffff  }
0x1bb: {  	s25 =	sshrl.u32 s6, $0x2;
	s10 =	sand.u32 $0x60, s23;
	v1 =	vor.u32 $0x20, v4;
	[tilespmem:s1+$0x0] =	vst v2  }
0x1bc: {  	s3 =	sadd.s32 $0x100, s25;
	s8 =	sor.u32 $0x10, s10;
	v2 =	vld.idx.msk [tilespmem:v5+s5+$0x0], $0xffff  }
0x1bd: {  	s11 =	sadd.s32 $0xD280, s2;
	s12 =	sor.u32 s8, s3;
	v5 =	vor.u32 $0x20, v3  }
0x1be: {  	s9 =	sor.u32 s0, s11;
	v6 =	vld [tilespmem:s12+$0x80];
	s1 =	sor.u32 s10, s3  }
0x1bf: {  	v7 =	vld [tilespmem:s1+$0x80];
	[tilespmem:s9+$0x0] =	vst v0  }
0x1c0: {  	s3 =	sor.u32 s31, s11;
	v0 =	vld.idx.msk [tilespmem:v1+s5+$0x0], $0xffff  }
0x1c1: {  	v1 =	vor.u32 $0x28, v4;
	[tilespmem:s3+$0x0] =	vst v2  }
0x1c2: {  	v2 =	vld.idx.msk [tilespmem:v5+s5+$0x0], $0xffff  }
0x1c3: {  	s13 =	sadd.s32 $0xD300, s2;
	v5 =	vadd.s32 $0x4, v6;
	v6 =	vor.u32 $0x28, v3  }
0x1c4: {  	s15 =	sor.u32 s0, s13;
	vm10 =	vgt.s32 v5, $0x0  }
0x1c5: {  	[tilespmem:s15+$0x0] =	vst v0;
	v0 =	vnsel vm10, $0x0, v5;
	v5 =	vadd.s32 $0x4, v7  }
0x1c6: {  	s1 =	sor.u32 s31, s13;
	v1 =	vld.idx.msk [tilespmem:v1+s5+$0x0], $0xffff;
	v0 =	vmin.u32 v0, $0x7;
	vm11 =	vgt.s32 v5, $0x0  }
0x1c7: {  	v7 =	vor.u32 $0x30, v4;
	[tilespmem:s1+$0x0] =	vst v2;
	v5 =	vnsel vm11, $0x0, v5  }
0x1c8: {  	v2 =	vld.idx.msk [tilespmem:v6+s5+$0x0], $0xffff;
	v5 =	vmin.u32 v5, $0x7  }
0x1c9: {  	s16 =	sadd.s32 $0xD380, s2;
	v6 =	vor.u32 $0x30, v3  }
0x1ca: {  	s17 =	sor.u32 s0, s16  }
0x1cb: {  	v8 =	vld.idx.msk [tilespmem:v0+s5+$0x0], $0xffff;
	[tilespmem:s17+$0x0] =	vst v1  }
0x1cc: {  	s1 =	sor.u32 s31, s16;
	v1 =	vld.idx.msk [tilespmem:v7+s5+$0x0], $0xffff;
	v7 =	vor.u32 $0x8, v0  }
0x1cd: {  	v9 =	vor.u32 $0x38, v4;
	[tilespmem:s1+$0x0] =	vst v2;
	v10 =	vld.idx.msk [tilespmem:v5+s5+$0x0], $0xffff  }
0x1ce: {  	s19 =	sadd.s32 $0xD100, s6;
	v2 =	vor.u32 $0x8, v5;
	v6 =	vld.idx.msk [tilespmem:v6+s5+$0x0], $0xffff  }
0x1cf: {  	s23 =	sadd.s32 $0xD400, s2;
	v11 =	vor.u32 $0x38, v3;
	s21 =	sor.u32 s8, s19  }
0x1d0: {  	s25 =	sor.u32 s0, s23;
	[tilespmem:s21+$0x0] =	vst v8  }
0x1d1: {  	s9 =	sor.u32 s10, s19;
	v7 =	vld.idx.msk [tilespmem:v7+s5+$0x0], $0xffff;
	[tilespmem:s25+$0x0] =	vst v1  }
0x1d2: {  	s11 =	sor.u32 s31, s23;
	v8 =	vor.u32 $0x10, v0;
	v1 =	vld.idx.msk [tilespmem:v9+s5+$0x0], $0xffff;
	[tilespmem:s9+$0x0] =	vst v10  }
0x1d3: {  	v9 =	vor.u32 $0x40, v4;
	[tilespmem:s11+$0x0] =	vst v6;
	v2 =	vld.idx.msk [tilespmem:v2+s5+$0x0], $0xffff  }
0x1d4: {  	s12 =	sadd.s32 $0xD180, s6;
	v6 =	vor.u32 $0x10, v5;
	v10 =	vld.idx.msk [tilespmem:v11+s5+$0x0], $0xffff  }
0x1d5: {  	s13 =	sor.u32 s8, s12;
	s15 =	sadd.s32 $0xD480, s2;
	v11 =	vor.u32 $0x40, v3  }
0x1d6: {  	s16 =	sor.u32 s0, s15;
	[tilespmem:s13+$0x0] =	vst v7  }
0x1d7: {  	s1 =	sor.u32 s10, s12;
	[tilespmem:s16+$0x0] =	vst v1;
	v1 =	vld.idx.msk [tilespmem:v8+s5+$0x0], $0xffff  }
0x1d8: {  	s17 =	sor.u32 s31, s15;
	v8 =	vor.u32 $0x18, v0;
	v7 =	vld.idx.msk [tilespmem:v9+s5+$0x0], $0xffff;
	[tilespmem:s1+$0x0] =	vst v2  }
0x1d9: {  	v2 =	vor.u32 $0x48, v4;
	[tilespmem:s17+$0x0] =	vst v10;
	v6 =	vld.idx.msk [tilespmem:v6+s5+$0x0], $0xffff  }
0x1da: {  	s19 =	sadd.s32 $0xD200, s6;
	v9 =	vor.u32 $0x18, v5;
	v10 =	vld.idx.msk [tilespmem:v11+s5+$0x0], $0xffff  }
0x1db: {  	s23 =	sadd.s32 $0x11100, s2;
	s21 =	sor.u32 s8, s19;
	v11 =	vor.u32 $0x48, v3  }
0x1dc: {  	s25 =	sor.u32 s0, s23;
	s9 =	simm.s32 $0x200;
	[tilespmem:s21+$0x0] =	vst v1  }
0x1dd: {  	s11 =	simm.s32 $0x40;
	s1 =	sor.u32 s10, s19;
	s17 =	sand.u32 $0x3C00, s9;
	v1 =	vld.idx.msk [tilespmem:v8+s5+$0x0], $0xffff;
	[tilespmem:s25+$0x0] =	vst v7  }
0x1de: {  	s7 =	sor.u32 s31, s23;
	s19 =	sand.u32 $0x60, s11;
	s12 =	sshrl.u32 s17, $0x2;
	v7 =	vor.u32 $0x20, v0;
	v2 =	vld.idx.msk [tilespmem:v2+s5+$0x0], $0xffff;
	[tilespmem:s1+$0x0] =	vst v6  }
0x1df: {  	s21 =	sor.u32 $0x10, s19;
	v6 =	vor.u32 $0x50, v4;
	[tilespmem:s7+$0x0] =	vst v10;
	s1 =	sadd.s32 $0x100, s12;
	v8 =	vld.idx.msk [tilespmem:v9+s5+$0x0], $0xffff  }
0x1e0: {  	s13 =	sadd.s32 $0xD280, s6;
	v9 =	vld.idx.msk [tilespmem:v11+s5+$0x0], $0xffff;
	s15 =	sor.u32 s21, s1  }
0x1e1: {  	s23 =	sadd.s32 $0x11180, s2;
	s16 =	sor.u32 s8, s13;
	v10 =	vor.u32 $0x20, v5;
	s1 =	sor.u32 s19, s1;
	v11 =	vld [tilespmem:s15+$0x80]  }
0x1e2: {  	s25 =	sor.u32 s0, s23;
	v12 =	vld [tilespmem:s1+$0x80];
	[tilespmem:s16+$0x0] =	vst v1;
	v1 =	vor.u32 $0x50, v3  }
0x1e3: {  	v7 =	vld.idx.msk [tilespmem:v7+s5+$0x0], $0xffff;
	[tilespmem:s25+$0x0] =	vst v2  }
0x1e4: {  	s3 =	sor.u32 s10, s13;
	v2 =	vld.idx.msk [tilespmem:v6+s5+$0x0], $0xffff;
	v6 =	vor.u32 $0x28, v0  }
0x1e5: {  	s7 =	sor.u32 s31, s23;
	[tilespmem:s3+$0x0] =	vst v8;
	v8 =	vor.u32 $0x58, v4  }
0x1e6: {  	s9 =	sadd.s32 $0xD300, s6;
	[tilespmem:s7+$0x0] =	vst v9;
	v9 =	vld.idx.msk [tilespmem:v10+s5+$0x0], $0xffff;
	v10 =	vadd.s32 $0x4, v11  }
0x1e7: {  	v13 =	vor.u32 $0x28, v5;
	s11 =	sor.u32 s8, s9;
	s12 =	sadd.s32 $0x11200, s2;
	vm12 =	vgt.s32 v10, $0x0;
	v14 =	vld.idx.msk [tilespmem:v1+s5+$0x0], $0xffff  }
0x1e8: {  	v15 =	vor.u32 $0x58, v3;
	s13 =	sor.u32 s0, s12;
	v1 =	vnsel vm12, $0x0, v10;
	[tilespmem:s11+$0x0] =	vst v7  }
0x1e9: {  	v1 =	vmin.u32 v1, $0x7;
	v6 =	vld.idx.msk [tilespmem:v6+s5+$0x0], $0xffff;
	[tilespmem:s13+$0x0] =	vst v2;
	v2 =	vadd.s32 $0x4, v12  }
0x1ea: {  	s1 =	sor.u32 s10, s9;
	v7 =	vld.idx.msk [tilespmem:v8+s5+$0x0], $0xffff;
	vm13 =	vgt.s32 v2, $0x0;
	v8 =	vor.u32 $0x30, v0  }
0x1eb: {  	s15 =	sor.u32 s31, s12;
	[tilespmem:s1+$0x0] =	vst v9;
	v9 =	vor.u32 $0x60, v4;
	v2 =	vnsel vm13, $0x0, v2  }
0x1ec: {  	s16 =	sadd.s32 $0xD380, s6;
	v11 =	vmin.u32 v2, $0x7;
	v2 =	vld.idx.msk [tilespmem:v13+s5+$0x0], $0xffff;
	[tilespmem:s15+$0x0] =	vst v14  }
0x1ed: {  	s23 =	sor.u32 s8, s16;
	s25 =	sadd.s32 $0x11280, s2;
	v10 =	vor.u32 $0x30, v5;
	v12 =	vld.idx.msk [tilespmem:v15+s5+$0x0], $0xffff  }
0x1ee: {  	s9 =	sor.u32 s0, s25;
	v13 =	vor.u32 $0x60, v3;
	v14 =	vld.idx.msk [tilespmem:v1+s5+$0x0], $0xffff;
	[tilespmem:s23+$0x0] =	vst v6  }
0x1ef: {  	v6 =	vld.idx.msk [tilespmem:v8+s5+$0x0], $0xffff;
	[tilespmem:s9+$0x0] =	vst v7;
	v7 =	vor.u32 $0x8, v1  }
0x1f0: {  	s1 =	sor.u32 s10, s16;
	v8 =	vld.idx.msk [tilespmem:v9+s5+$0x0], $0xffff;
	v9 =	vor.u32 $0x38, v0  }
0x1f1: {  	s12 =	sadd.s32 $0xD100, s17;
	s11 =	sor.u32 s31, s25;
	v15 =	vld.idx.msk [tilespmem:v11+s5+$0x0], $0xffff;
	[tilespmem:s1+$0x0] =	vst v2;
	v2 =	vor.u32 $0x68, v4  }
0x1f2: {  	s13 =	sor.u32 s21, s12;
	s15 =	sadd.s32 $0xD400, s6;
	v16 =	vor.u32 $0x8, v11;
	v10 =	vld.idx.msk [tilespmem:v10+s5+$0x0], $0xffff;
	[tilespmem:s11+$0x0] =	vst v12  }
0x1f3: {  	s16 =	sor.u32 s8, s15;
	s23 =	sadd.s32 $0x11300, s2;
	v12 =	vor.u32 $0x38, v5;
	[tilespmem:s13+$0x0] =	vst v14;
	v13 =	vld.idx.msk [tilespmem:v13+s5+$0x0], $0xffff  }
0x1f4: {  	s25 =	sor.u32 s0, s23;
	v14 =	vor.u32 $0x68, v3;
	v7 =	vld.idx.msk [tilespmem:v7+s5+$0x0], $0xffff;
	[tilespmem:s16+$0x0] =	vst v6  }
0x1f5: {  	s7 =	sor.u32 s19, s12;
	v6 =	vld.idx.msk [tilespmem:v9+s5+$0x0], $0xffff;
	[tilespmem:s25+$0x0] =	vst v8;
	v8 =	vor.u32 $0x10, v1  }
0x1f6: {  	s11 =	sor.u32 s10, s15;
	v9 =	vor.u32 $0x40, v0;
	v2 =	vld.idx.msk [tilespmem:v2+s5+$0x0], $0xffff;
	[tilespmem:s7+$0x0] =	vst v15  }
0x1f7: {  	s12 =	sadd.s32 $0xD180, s17;
	s3 =	sor.u32 s31, s23;
	v15 =	vld.idx.msk [tilespmem:v16+s5+$0x0], $0xffff;
	[tilespmem:s11+$0x0] =	vst v10;
	v10 =	vor.u32 $0x70, v4  }
0x1f8: {  	s13 =	sor.u32 s21, s12;
	s15 =	sadd.s32 $0xD480, s6;
	v16 =	vor.u32 $0x10, v11;
	v12 =	vld.idx.msk [tilespmem:v12+s5+$0x0], $0xffff;
	[tilespmem:s3+$0x0] =	vst v13  }
0x1f9: {  	s23 =	sadd.s32 $0x11380, s2;
	s16 =	sor.u32 s8, s15;
	v13 =	vor.u32 $0x40, v5;
	[tilespmem:s13+$0x0] =	vst v7;
	v7 =	vld.idx.msk [tilespmem:v14+s5+$0x0], $0xffff  }
0x1fa: {  	s25 =	sor.u32 s0, s23;
	v14 =	vor.u32 $0x70, v3;
	[tilespmem:s16+$0x0] =	vst v6;
	v6 =	vld.idx.msk [tilespmem:v8+s5+$0x0], $0xffff  }
0x1fb: {  	s7 =	sor.u32 s19, s12;
	v8 =	vor.u32 $0x18, v1;
	[tilespmem:s25+$0x0] =	vst v2;
	v2 =	vld.idx.msk [tilespmem:v9+s5+$0x0], $0xffff  }
0x1fc: {  	s9 =	sor.u32 s10, s15;
	[tilespmem:s7+$0x0] =	vst v15;
	v9 =	vld.idx.msk [tilespmem:v10+s5+$0x0], $0xffff;
	v10 =	vor.u32 $0x48, v0  }
0x1fd: {  	s11 =	sadd.s32 $0xD200, s17;
	s3 =	sor.u32 s31, s23;
	v15 =	vld.idx.msk [tilespmem:v16+s5+$0x0], $0xffff;
	[tilespmem:s9+$0x0] =	vst v12;
	v12 =	vor.u32 $0x78, v4  }
0x1fe: {  	s12 =	sor.u32 s21, s11;
	s13 =	sadd.s32 $0x11100, s6;
	v16 =	vor.u32 $0x18, v11;
	v13 =	vld.idx.msk [tilespmem:v13+s5+$0x0], $0xffff;
	[tilespmem:s3+$0x0] =	vst v7  }
0x1ff: {  	s15 =	sor.u32 s8, s13;
	s16 =	sadd.s32 $0x11400, s2;
	v7 =	vor.u32 $0x48, v5;
	v14 =	vld.idx.msk [tilespmem:v14+s5+$0x0], $0xffff;
	[tilespmem:s12+$0x0] =	vst v6  }
0x200: {  	s23 =	sor.u32 s0, s16;
	v6 =	vor.u32 $0x78, v3;
	v8 =	vld.idx.msk [tilespmem:v8+s5+$0x0], $0xffff;
	[tilespmem:s15+$0x0] =	vst v2  }
0x201: {  	s1 =	sor.u32 s19, s11;
	s25 =	simm.s32 $0x300;
	v2 =	vld.idx.msk [tilespmem:v10+s5+$0x0], $0xffff;
	[tilespmem:s23+$0x0] =	vst v9  }
0x202: {  	s30 =	simm.s32 $0x60;
	s7 =	sor.u32 s10, s13;
	s23 =	sand.u32 $0x3C00, s25;
	v9 =	vor.u32 $0x20, v1;
	[tilespmem:s1+$0x0] =	vst v15;
	v10 =	vld.idx.msk [tilespmem:v12+s5+$0x0], $0xffff  }
0x203: {  	s11 =	sor.u32 s31, s16;
	s25 =	sand.u32 $0x60, s30;
	s12 =	sshrl.u32 s23, $0x2;
	v12 =	vld.idx.msk [tilespmem:v16+s5+$0x0], $0xffff;
	[tilespmem:s7+$0x0] =	vst v13;
	v13 =	vor.u32 $0x50, v0  }
0x204: {  	s28 =	sor.u32 $0x10, s25;
	s3 =	sadd.s32 $0x100, s12;
	s7 =	sadd.s32 $0xD280, s17;
	v7 =	vld.idx.msk [tilespmem:v7+s5+$0x0], $0xffff;
	[tilespmem:s11+$0x0] =	vst v14  }
0x205: {  	v14 =	vor.u32 $0x80, v4;
	s13 =	sor.u32 s28, s3;
	s15 =	sor.u32 s21, s7;
	s11 =	sadd.s32 $0x11180, s6;
	v6 =	vld.idx.msk [tilespmem:v6+s5+$0x0], $0xffff  }
0x206: {  	s9 =	sadd.s32 $0x11480, s2;
	v15 =	vor.u32 $0x20, v11;
	v16 =	vld [tilespmem:s13+$0x80];
	[tilespmem:s15+$0x0] =	vst v8;
	s16 =	sor.u32 s8, s11  }
0x207: {  	s12 =	sor.u32 s0, s9;
	v8 =	vor.u32 $0x50, v5;
	v9 =	vld.idx.msk [tilespmem:v9+s5+$0x0], $0xffff;
	[tilespmem:s16+$0x0] =	vst v2  }
0x208: {  	s13 =	sor.u32 s25, s3;
	s15 =	sor.u32 s19, s7;
	v2 =	vor.u32 $0x80, v3;
	[tilespmem:s12+$0x0] =	vst v10;
	v13 =	vld.idx.msk [tilespmem:v13+s5+$0x0], $0xffff  }
0x209: {  	v10 =	vor.u32 $0x28, v1;
	[tilespmem:s15+$0x0] =	vst v12;
	v12 =	vld [tilespmem:s13+$0x80]  }
0x20a: {  	v17 =	vor.u32 $0x58, v0;
	s16 =	sor.u32 s10, s11;
	v14 =	vld.idx.msk [tilespmem:v14+s5+$0x0], $0xffff  }
0x20b: {  	s9 =	sor.u32 s31, s9;
	s11 =	sadd.s32 $0xD300, s17;
	[tilespmem:s16+$0x0] =	vst v7;
	v7 =	vld.idx.msk [tilespmem:v15+s5+$0x0], $0xffff;
	v15 =	vor.u32 $0x88, v4;
	v16 =	vadd.s32 $0x4, v16  }
0x20c: {  	v18 =	vor.u32 $0x28, v11;
	s12 =	sor.u32 s21, s11;
	s13 =	sadd.s32 $0x11200, s6;
	[tilespmem:s9+$0x0] =	vst v6;
	v6 =	vld.idx.msk [tilespmem:v8+s5+$0x0], $0xffff;
	vm14 =	vgt.s32 v16, $0x0  }
0x20d: {  	s15 =	sor.u32 s8, s13;
	v8 =	vor.u32 $0x58, v5;
	s9 =	sadd.s32 $0x15100, s2;
	[tilespmem:s12+$0x0] =	vst v9;
	v9 =	vld.idx.msk [tilespmem:v2+s5+$0x0], $0xffff;
	v2 =	vnsel vm14, $0x0, v16  }
0x20e: {  	s16 =	sor.u32 s0, s9;
	v10 =	vld.idx.msk [tilespmem:v10+s5+$0x0], $0xffff;
	[tilespmem:s15+$0x0] =	vst v13;
	v2 =	vmin.u32 v2, $0x7  }
0x20f: {  	s3 =	sor.u32 s19, s11;
	v12 =	vadd.s32 $0x4, v12;
	v13 =	vld.idx.msk [tilespmem:v17+s5+$0x0], $0xffff;
	[tilespmem:s16+$0x0] =	vst v14;
	v14 =	vor.u32 $0x30, v1  }
0x210: {  	s7 =	sor.u32 s10, s13;
	vm15 =	vgt.s32 v12, $0x0;
	[tilespmem:s3+$0x0] =	vst v7;
	v7 =	vor.u32 $0x60, v0;
	v15 =	vld.idx.msk [tilespmem:v15+s5+$0x0], $0xffff  }
0x211: {  	s11 =	sadd.s32 $0xD380, s17;
	v12 =	vnsel vm15, $0x0, v12;
	v17 =	vld.idx.msk [tilespmem:v18+s5+$0x0], $0xffff;
	[tilespmem:s7+$0x0] =	vst v6;
	v6 =	vor.u32 $0x90, v4  }
0x212: {  	s15 =	sor.u32 s21, s11;
	s16 =	sadd.s32 $0x11280, s6;
	v16 =	vmin.u32 v12, $0x7;
	v8 =	vld.idx.msk [tilespmem:v8+s5+$0x0], $0xffff  }
0x213: {  	s12 =	sor.u32 s8, s16;
	s7 =	sadd.s32 $0x15180, s2;
	v12 =	vor.u32 $0x30, v11;
	[tilespmem:s15+$0x0] =	vst v10;
	v18 =	vld.idx.msk [tilespmem:v2+s5+$0x0], $0xffff  }
0x214: {  	s13 =	sor.u32 s0, s7;
	v10 =	vor.u32 $0x60, v5;
	v14 =	vld.idx.msk [tilespmem:v14+s5+$0x0], $0xffff;
	[tilespmem:s12+$0x0] =	vst v13  }
0x215: {  	s9 =	sor.u32 s31, s9;
	v13 =	vor.u32 $0x8, v2;
	v7 =	vld.idx.msk [tilespmem:v7+s5+$0x0], $0xffff;
	[tilespmem:s13+$0x0] =	vst v15  }
0x216: {  	[tilespmem:s9+$0x0] =	vst v9;
	v9 =	vor.u32 $0x38, v1;
	s15 =	sor.u32 s19, s11;
	v15 =	vld.idx.msk [tilespmem:v6+s5+$0x0], $0xffff  }
0x217: {  	s16 =	sor.u32 s10, s16;
	s9 =	sadd.s32 $0xD100, s23;
	[tilespmem:s15+$0x0] =	vst v17;
	v17 =	vor.u32 $0x68, v0;
	v19 =	vld.idx.msk [tilespmem:v16+s5+$0x0], $0xffff  }
0x218: {  	v4 =	vor.u32 $0x98, v4;
	s11 =	sadd.s32 $0xD400, s17;
	s12 =	sor.u32 s28, s9;
	v20 =	vld.idx.msk [tilespmem:v12+s5+$0x0], $0xffff;
	[tilespmem:s16+$0x0] =	vst v8  }
0x219: {  	s13 =	sor.u32 s21, s11;
	s15 =	sadd.s32 $0x11300, s6;
	v8 =	vor.u32 $0x8, v16;
	v10 =	vld.idx.msk [tilespmem:v10+s5+$0x0], $0xffff;
	[tilespmem:s12+$0x0] =	vst v18  }
0x21a: {  	s1 =	sadd.s32 $0x15200, s2;
	v18 =	vor.u32 $0x38, v11;
	s12 =	sor.u32 s8, s15;
	v13 =	vld.idx.msk [tilespmem:v13+s5+$0x0], $0xffff;
	[tilespmem:s13+$0x0] =	vst v14  }
0x21b: {  	s16 =	sor.u32 s0, s1;
	v14 =	vor.u32 $0x68, v5;
	v22 =	vld.idx.msk [tilespmem:v9+s5+$0x0], $0xffff;
	[tilespmem:s12+$0x0] =	vst v7  }
0x21c: {  	v24 =	vor.u32 $0x88, v3;
	v30 =	vor.u32 $0x90, v3;
	v59 =	vor.u32 $0x70, v0;
	s9 =	sor.u32 s25, s9;
	v17 =	vld.idx.msk [tilespmem:v17+s5+$0x0], $0xffff;
	[tilespmem:s16+$0x0] =	vst v15  }
0x21d: {  	v39 =	vor.u32 $0x78, v0;
	v26 =	vor.u32 $0x70, v5;
	v27 =	vor.u32 $0x10, v2;
	s11 =	sor.u32 s19, s11;
	[tilespmem:s9+$0x0] =	vst v19;
	v28 =	vld.idx.msk [tilespmem:v4+s5+$0x0], $0xffff  }
0x21e: {  	v60 =	vor.u32 $0x40, v11;
	v25 =	vor.u32 $0x48, v11;
	s3 =	sor.u32 s10, s15;
	s9 =	sadd.s32 $0xD180, s23;
	[tilespmem:s11+$0x0] =	vst v20;
	v20 =	vor.u32 $0x40, v1;
	v29 =	vld.idx.msk [tilespmem:v8+s5+$0x0], $0xffff  }
0x21f: {  	v23 =	vor.u32 $0x50, v11;
	v21 =	vor.u32 $0x58, v11;
	v61 =	vor.u32 $0x10, v16;
	s13 =	sadd.s32 $0xD480, s17;
	s12 =	sor.u32 s28, s9;
	[tilespmem:s3+$0x0] =	vst v10;
	v31 =	vld.idx.msk [tilespmem:v18+s5+$0x0], $0xffff  }
0x220: {  	v6 =	vor.u32 $0x98, v3;
	v12 =	vor.u32 $0x78, v5;
	v3 =	vor.u32 $0x98, v5;
	s15 =	sor.u32 s21, s13;
	s11 =	sadd.s32 $0x11380, s6;
	[tilespmem:s12+$0x0] =	vst v13;
	v14 =	vld.idx.msk [tilespmem:v14+s5+$0x0], $0xffff  }
0x221: {  	s2 =	sadd.s32 $0x15280, s2;
	v9 =	vor.u32 $0x80, v5;
	v7 =	vor.u32 $0x88, v5;
	v19 =	vor.u32 $0x60, v11;
	s16 =	sor.u32 s8, s11;
	[tilespmem:s15+$0x0] =	vst v22;
	v22 =	vld.idx.msk [tilespmem:v24+s5+$0x0], $0xffff  }
0x222: {  	s0 =	sor.u32 s0, s2;
	v15 =	vor.u32 $0x78, v11;
	v4 =	vor.u32 $0x90, v5;
	v10 =	vor.u32 $0x88, v11;
	v24 =	vld.idx.msk [tilespmem:v27+s5+$0x0], $0xffff;
	[tilespmem:s16+$0x0] =	vst v17  }
0x223: {  	v8 =	vor.u32 $0x90, v11;
	s9 =	sor.u32 s25, s9;
	v5 =	vor.u32 $0x98, v11;
	v18 =	vor.u32 $0x68, v11;
	v62 =	vld.idx.msk [tilespmem:v20+s5+$0x0], $0xffff;
	[tilespmem:s0+$0x0] =	vst v28  }
0x224: {  	s13 =	sor.u32 s19, s13;
	v13 =	vor.u32 $0x80, v11;
	v17 =	vor.u32 $0x70, v11;
	v11 =	vor.u32 $0x18, v2;
	[tilespmem:s9+$0x0] =	vst v29;
	v63 =	vld.idx.msk [tilespmem:v59+s5+$0x0], $0xffff  }
0x225: {  	v44 =	vor.u32 $0x48, v1;
	v36 =	vor.u32 $0x18, v16;
	v34 =	vor.u32 $0x20, v16;
	s3 =	sor.u32 s31, s7;
	s7 =	sadd.s32 $0xD200, s23;
	s16 =	sor.u32 s10, s11;
	v42 =	vld.idx.msk [tilespmem:v61+s5+$0x0], $0xffff;
	[tilespmem:s13+$0x0] =	vst v31  }
0x226: {  	v32 =	vor.u32 $0x28, v16;
	v35 =	vor.u32 $0x48, v16;
	v33 =	vor.u32 $0x50, v16;
	s12 =	sor.u32 s28, s7;
	s15 =	sadd.s32 s29, s4;
	v40 =	vld.idx.msk [tilespmem:v60+s5+$0x0], $0xffff;
	[tilespmem:s16+$0x0] =	vst v14  }
0x227: {  	v27 =	vor.u32 $0x58, v16;
	s29 =	sadd.s32 $0x800, s15;
	s11 =	sor.u32 s31, s1;
	v20 =	vor.u32 $0x70, v16;
	v29 =	vor.u32 $0x38, v16;
	s13 =	sadd.s32 $0x11100, s17;
	v38 =	vld.idx.msk [tilespmem:v26+s5+$0x0], $0xffff;
	[tilespmem:s3+$0x0] =	vst v22  }
0x228: {  	v28 =	vor.u32 $0x40, v16;
	s0 =	sor.u32 s31, s2;
	v31 =	vor.u32 $0x30, v16;
	s15 =	sor.u32 s21, s13;
	s16 =	sadd.s32 $0x11400, s6;
	v14 =	vor.u32 $0x88, v16;
	[tilespmem:s12+$0x0] =	vst v24;
	v37 =	vld.idx.msk [tilespmem:v30+s5+$0x0], $0xffff  }
0x229: {  	s2 =	simm.s32 $0x6;
	s1 =	sor.u32 s19, s13;
	v26 =	vor.u32 $0x60, v16;
	v22 =	vor.u32 $0x68, v16;
	v24 =	vor.u32 $0x80, v16;
	s31 =	sor.u32 s8, s16;
	v43 =	vld.idx.msk [tilespmem:v11+s5+$0x0], $0xffff;
	[tilespmem:s15+$0x0] =	vst v62  }
0x22a: {  	s13 =	simm.s32 $0x400;
	s3 =	sor.u32 s25, s7;
	s9 =	sor.u32 s10, s16;
	v30 =	vor.u32 $0x78, v16;
	v11 =	vor.u32 $0x90, v16;
	v16 =	vor.u32 $0x98, v16;
	[tilespmem:s31+$0x0] =	vst v63;
	v41 =	vld.idx.msk [tilespmem:v44+s5+$0x0], $0xffff  }
.LBB2_5:
0x22b: {  	s31 =	sand.u32 $0x3C00, s13;
	[tilespmem:s3+$0x0] =	vst v42;
	v42 =	vor.u32 $0x20, v2;
	s30 =	sadd.s32 $0x20, s30;
	v39 =	vld.idx.msk [tilespmem:v39+s5+$0x0], $0xffff  }
0x22c: {  	s7 =	sand.u32 $0x60, s30;
	s3 =	sshrl.u32 s31, $0x2;
	v36 =	vld.idx.msk [tilespmem:v36+s5+$0x0], $0xffff;
	[tilespmem:s1+$0x0] =	vst v40;
	v40 =	vor.u32 $0x50, v1  }
0x22d: {  	s1 =	sadd.s32 $0x100, s3;
	s15 =	sor.u32 $0x10, s7;
	s3 =	sadd.s32 $0xD280, s23;
	v44 =	vld.idx.msk [tilespmem:v25+s5+$0x0], $0xffff;
	[tilespmem:s9+$0x0] =	vst v38;
	v38 =	vor.u32 $0x80, v0;
	v25 =	vmov v35  }
0x22e: {  	s16 =	sadd.s32 $0x11180, s17;
	s9 =	sor.u32 s15, s1;
	s12 =	sor.u32 s28, s3;
	v35 =	vld.idx.msk [tilespmem:v12+s5+$0x0], $0xffff;
	[tilespmem:s11+$0x0] =	vst v37;
	v12 =	vmov v15;
	v15 =	vmov v30  }
0x22f: {  	s2 =	sadd.s32 $0x2, s2;
	s11 =	sadd.s32 $0x11480, s6;
	v30 =	vld [tilespmem:s9+$0x80];
	[tilespmem:s12+$0x0] =	vst v43;
	s9 =	sor.u32 s21, s16  }
0x230: {  	p1 =	slt.u32 s2, $0x7E;
	s1 =	sor.u32 s7, s1;
	v37 =	vld.idx.msk [tilespmem:v42+s5+$0x0], $0xffff;
	[tilespmem:s9+$0x0] =	vst v41;
	s9 =	sor.u32 s8, s11  }
0x231: {  	s3 =	sor.u32 s25, s3;
	s12 =	sor.u32 s19, s16;
	s11 =	sor.u32 s10, s11;
	v40 =	vld.idx.msk [tilespmem:v40+s5+$0x0], $0xffff;
	[tilespmem:s9+$0x0] =	vst v39  }
0x232: {  	[tilespmem:s3+$0x0] =	vst v36;
	v36 =	vor.u32 $0x28, v2;
	v38 =	vld.idx.msk [tilespmem:v38+s5+$0x0], $0xffff  }
0x233: {  	v41 =	vor.u32 $0x58, v1;
	v39 =	vld [tilespmem:s1+$0x80];
	[tilespmem:s12+$0x0] =	vst v44  }
0x234: {  	s1 =	sadd.s32 $0xD300, s23;
	v34 =	vld.idx.msk [tilespmem:v34+s5+$0x0], $0xffff;
	[tilespmem:s11+$0x0] =	vst v35;
	v35 =	vor.u32 $0x88, v0  }
0x235: {  	s9 =	sadd.s32 $0x11200, s17;
	v30 =	vadd.s32 $0x4, v30;
	s3 =	sor.u32 s25, s1;
	s1 =	sor.u32 s28, s1;
	v42 =	vld.idx.msk [tilespmem:v23+s5+$0x0], $0xffff;
	v23 =	vmov v33  }
0x236: {  	s11 =	sadd.s32 $0x15100, s6;
	vm0 =	vgt.s32 v30, $0x0;
	[tilespmem:s1+$0x0] =	vst v37;
	s1 =	sor.u32 s19, s9;
	s9 =	sor.u32 s21, s9;
	v33 =	vld.idx.msk [tilespmem:v9+s5+$0x0], $0xffff;
	v9 =	vmov v13;
	v13 =	vmov v24  }
0x237: {  	v24 =	vnsel vm0, $0x0, v30;
	v30 =	vld.idx.msk [tilespmem:v36+s5+$0x0], $0xffff;
	[tilespmem:s9+$0x0] =	vst v40;
	s9 =	sor.u32 s10, s11;
	s11 =	sor.u32 s8, s11  }
0x238: {  	v36 =	vadd.s32 $0x4, v39;
	v39 =	vmin.u32 v24, $0x7;
	v24 =	vld.idx.msk [tilespmem:v41+s5+$0x0], $0xffff;
	[tilespmem:s11+$0x0] =	vst v38  }
0x239: {  	v38 =	vor.u32 $0x30, v2;
	vm0 =	vgt.s32 v36, $0x0;
	v40 =	vld.idx.msk [tilespmem:v35+s5+$0x0], $0xffff  }
0x23a: {  	v41 =	vor.u32 $0x60, v1;
	v35 =	vnsel vm0, $0x0, v36;
	[tilespmem:s3+$0x0] =	vst v34;
	v43 =	vld.idx.msk [tilespmem:v6+s5+$0x0], $0xffff;
	v6 =	vmovc v3;
	v3 =	vmovc v5;
	v5 =	vmov v16  }
0x23b: {  	s3 =	sadd.s32 $0xD380, s23;
	v16 =	vmin.u32 v35, $0x7;
	v44 =	vld.idx.msk [tilespmem:v32+s5+$0x0], $0xffff;
	[tilespmem:s1+$0x0] =	vst v42;
	v42 =	vor.u32 $0x90, v0  }
0x23c: {  	s11 =	sadd.s32 $0x11280, s17;
	s1 =	sor.u32 s25, s3;
	s3 =	sor.u32 s28, s3;
	v45 =	vor.u32 $0x8, v16;
	v37 =	vor.u32 $0x10, v16;
	v36 =	vor.u32 $0x18, v16;
	v46 =	vld.idx.msk [tilespmem:v21+s5+$0x0], $0xffff;
	[tilespmem:s9+$0x0] =	vst v33;
	v21 =	vmovc v27  }
0x23d: {  	v34 =	vor.u32 $0x20, v16;
	v32 =	vor.u32 $0x28, v16;
	v47 =	vor.u32 $0x30, v16;
	s9 =	sor.u32 s21, s11;
	v48 =	vld.idx.msk [tilespmem:v39+s5+$0x0], $0xffff;
	[tilespmem:s3+$0x0] =	vst v30;
	s3 =	sor.u32 s19, s11;
	s11 =	sadd.s32 $0x15180, s6  }
0x23e: {  	v49 =	vor.u32 $0x38, v16;
	v50 =	vor.u32 $0x40, v16;
	v35 =	vor.u32 $0x48, v16;
	v38 =	vld.idx.msk [tilespmem:v38+s5+$0x0], $0xffff;
	[tilespmem:s9+$0x0] =	vst v24;
	s9 =	sor.u32 s10, s11;
	s11 =	sor.u32 s8, s11  }
0x23f: {  	v51 =	vor.u32 $0x8, v39;
	v33 =	vor.u32 $0x50, v16;
	v27 =	vor.u32 $0x58, v16;
	v41 =	vld.idx.msk [tilespmem:v41+s5+$0x0], $0xffff;
	[tilespmem:s11+$0x0] =	vst v40  }
0x240: {  	v53 =	vor.u32 $0x38, v2;
	v52 =	vor.u32 $0x68, v16;
	v40 =	vor.u32 $0x60, v16;
	v42 =	vld.idx.msk [tilespmem:v42+s5+$0x0], $0xffff;
	[tilespmem:s0+$0x0] =	vst v43  }
0x241: {  	v54 =	vor.u32 $0x70, v16;
	v30 =	vor.u32 $0x78, v16;
	s0 =	sadd.s32 $0xD100, s31;
	v43 =	vld.idx.msk [tilespmem:v16+s5+$0x0], $0xffff;
	[tilespmem:s1+$0x0] =	vst v44;
	v44 =	vor.u32 $0x68, v1  }
0x242: {  	v55 =	vor.u32 $0x88, v16;
	v24 =	vor.u32 $0x80, v16;
	s11 =	sadd.s32 $0xD400, s23;
	s1 =	sor.u32 s7, s0;
	s0 =	sor.u32 s15, s0;
	v56 =	vld.idx.msk [tilespmem:v31+s5+$0x0], $0xffff;
	[tilespmem:s3+$0x0] =	vst v46;
	v46 =	vor.u32 $0x98, v0;
	v0 =	vmovc v1;
	v1 =	vmovc v2  }
0x243: {  	v57 =	vor.u32 $0x90, v16;
	v16 =	vor.u32 $0x98, v16;
	s3 =	sor.u32 s28, s11;
	v2 =	vmovc v39;
	v31 =	vmovc v47;
	[tilespmem:s0+$0x0] =	vst v48;
	s0 =	sor.u32 s25, s11;
	v48 =	vld.idx.msk [tilespmem:v19+s5+$0x0], $0xffff;
	s11 =	sadd.s32 $0x11300, s17;
	v19 =	vmov v26  }
0x244: {  	s12 =	sadd.s32 $0x15200, s6;
	v26 =	vmov v40;
	v39 =	vld.idx.msk [tilespmem:v51+s5+$0x0], $0xffff;
	[tilespmem:s3+$0x0] =	vst v38;
	s3 =	sor.u32 s19, s11;
	s11 =	sor.u32 s21, s11  }
0x245: {  	v38 =	vld.idx.msk [tilespmem:v53+s5+$0x0], $0xffff;
	[tilespmem:s11+$0x0] =	vst v41;
	s11 =	sor.u32 s10, s12;
	s12 =	sor.u32 s8, s12  }
0x246: {  	v40 =	vld.idx.msk [tilespmem:v44+s5+$0x0], $0xffff;
	[tilespmem:s12+$0x0] =	vst v42  }
0x247: {  	v41 =	vor.u32 $0x10, v2;
	[tilespmem:s1+$0x0] =	vst v43;
	v42 =	vld.idx.msk [tilespmem:v46+s5+$0x0], $0xffff  }
0x248: {  	v44 =	vor.u32 $0x40, v1;
	s1 =	sadd.s32 $0xD180, s31;
	v43 =	vld.idx.msk [tilespmem:v45+s5+$0x0], $0xffff;
	[tilespmem:s0+$0x0] =	vst v56  }
0x249: {  	v46 =	vor.u32 $0x70, v0;
	s12 =	sor.u32 s7, s1;
	s0 =	sor.u32 s15, s1;
	s1 =	sadd.s32 $0xD480, s23;
	v45 =	vld.idx.msk [tilespmem:v29+s5+$0x0], $0xffff;
	[tilespmem:s3+$0x0] =	vst v48;
	v29 =	vmov v49  }
0x24a: {  	s3 =	sor.u32 s25, s1;
	[tilespmem:s0+$0x0] =	vst v39;
	s0 =	sor.u32 s28, s1;
	v39 =	vld.idx.msk [tilespmem:v18+s5+$0x0], $0xffff;
	s1 =	sadd.s32 $0x11380, s17;
	v18 =	vmov v22;
	v22 =	vmov v52  }
0x24b: {  	[tilespmem:s0+$0x0] =	vst v38;
	s16 =	sor.u32 s19, s1;
	s0 =	sor.u32 s21, s1;
	v47 =	vld.idx.msk [tilespmem:v7+s5+$0x0], $0xffff;
	s1 =	sadd.s32 $0x15280, s6;
	v7 =	vmov v10;
	v10 =	vmov v14;
	v14 =	vmov v55  }
0x24c: {  	s6 =	smov.u32 s17;
	v41 =	vld.idx.msk [tilespmem:v41+s5+$0x0], $0xffff;
	[tilespmem:s0+$0x0] =	vst v40;
	s0 =	sor.u32 s10, s1;
	s1 =	sor.u32 s8, s1  }
0x24d: {  	s17 =	smov.u32 s23;
	s23 =	smov.u32 s31;
	s10 =	smov.u32 s19;
	v44 =	vld.idx.msk [tilespmem:v44+s5+$0x0], $0xffff;
	[tilespmem:s1+$0x0] =	vst v42  }
0x24e: {  	s19 =	smov.u32 s25;
	s25 =	smov.u32 s7;
	s8 =	smov.u32 s21;
	[tilespmem:s12+$0x0] =	vst v43;
	v43 =	vor.u32 $0x18, v2;
	v46 =	vld.idx.msk [tilespmem:v46+s5+$0x0], $0xffff  }
0x24f: {  	s21 =	smov.u32 s28;
	s28 =	smov.u32 s15;
	v42 =	vld.idx.msk [tilespmem:v37+s5+$0x0], $0xffff;
	[tilespmem:s3+$0x0] =	vst v45;
	v45 =	vor.u32 $0x48, v1  }
.Ltmp3:
0x250: {  	s1 =	sadd.s32 $0xD200, s23;
	v40 =	vld.idx.msk [tilespmem:v28+s5+$0x0], $0xffff;
	[tilespmem:s16+$0x0] =	vst v39;
	v39 =	vor.u32 $0x78, v0;
	v28 =	vmov v50;
	(pc) =	sbr.rel @p1 .LBB2_5-.Ltmp3, $4  }
0x251: {  	s7 =	sadd.s32 $0x11100, s17;
	s3 =	sor.u32 s25, s1;
	s1 =	sor.u32 s28, s1;
	v38 =	vld.idx.msk [tilespmem:v17+s5+$0x0], $0xffff;
	[tilespmem:s9+$0x0] =	vst v47;
	v17 =	vmov v20;
	v20 =	vmov v54  }
0x252: {  	s12 =	sadd.s32 $0x11400, s6;
	[tilespmem:s1+$0x0] =	vst v41;
	s1 =	sor.u32 s19, s7;
	s7 =	sor.u32 s21, s7;
	v37 =	vld.idx.msk [tilespmem:v4+s5+$0x0], $0xffff;
	v4 =	vmov v8;
	v8 =	vmov v11;
	v11 =	vmov v57  }
0x253: {  	s9 =	sor.u32 s10, s12;
	v43 =	vld.idx.msk [tilespmem:v43+s5+$0x0], $0xffff;
	[tilespmem:s7+$0x0] =	vst v44;
	s7 =	sor.u32 s8, s12  }
0x254: {  	s13 =	sadd.s32 $0x100, s13;
	v41 =	vld.idx.msk [tilespmem:v45+s5+$0x0], $0xffff;
	[tilespmem:s7+$0x0] =	vst v46  }
0x255: {  	_ =	sdelay $0x2  }
0x256: {  	[tilespmem:s3+$0x0] =	vst v42  }
0x257: {  	v52 =	vor.u32 $0x20, v2;
	v36 =	vld.idx.msk [tilespmem:v36+s5+$0x0], $0xffff;
	_ =	sdelay $0x1  }
0x258: {  	s2 =	sadd.s32 $0xD280, s23  }
0x259: {  	s7 =	sor.u32 s28, s2  }
0x25a: {  	s2 =	sor.u32 s25, s2;
	[tilespmem:s7+$0x0] =	vst v43  }
0x25b: {  	v42 =	vld.idx.msk [tilespmem:v52+s5+$0x0], $0xffff;
	[tilespmem:s2+$0x0] =	vst v36  }
0x25c: {  	v53 =	vor.u32 $0x28, v2;
	v34 =	vld.idx.msk [tilespmem:v34+s5+$0x0], $0xffff;
	_ =	sdelay $0x1  }
0x25d: {  	s12 =	sadd.s32 $0xD300, s23  }
0x25e: {  	s13 =	sor.u32 s28, s12  }
0x25f: {  	s2 =	sor.u32 s25, s12;
	[tilespmem:s13+$0x0] =	vst v42  }
0x260: {  	v36 =	vld.idx.msk [tilespmem:v53+s5+$0x0], $0xffff;
	[tilespmem:s2+$0x0] =	vst v34  }
0x261: {  	v54 =	vor.u32 $0x30, v2;
	v32 =	vld.idx.msk [tilespmem:v32+s5+$0x0], $0xffff;
	_ =	sdelay $0x1  }
0x262: {  	s15 =	sadd.s32 $0xD380, s23  }
0x263: {  	s16 =	sor.u32 s28, s15  }
0x264: {  	s2 =	sor.u32 s25, s15;
	[tilespmem:s16+$0x0] =	vst v36  }
0x265: {  	v34 =	vld.idx.msk [tilespmem:v54+s5+$0x0], $0xffff;
	[tilespmem:s2+$0x0] =	vst v32  }
0x266: {  	v55 =	vor.u32 $0x38, v2;
	v31 =	vld.idx.msk [tilespmem:v31+s5+$0x0], $0xffff;
	_ =	sdelay $0x1  }
0x267: {  	s30 =	sadd.s32 $0xD400, s23  }
0x268: {  	s31 =	sor.u32 s28, s30  }
0x269: {  	s2 =	sor.u32 s25, s30;
	[tilespmem:s31+$0x0] =	vst v34  }
0x26a: {  	v32 =	vld.idx.msk [tilespmem:v55+s5+$0x0], $0xffff;
	[tilespmem:s2+$0x0] =	vst v31  }
0x26b: {  	v56 =	vor.u32 $0x40, v2;
	v29 =	vld.idx.msk [tilespmem:v29+s5+$0x0], $0xffff;
	_ =	sdelay $0x1  }
0x26c: {  	s7 =	sadd.s32 $0xD480, s23  }
0x26d: {  	s12 =	sor.u32 s28, s7  }
0x26e: {  	s2 =	sor.u32 s25, s7;
	[tilespmem:s12+$0x0] =	vst v32  }
0x26f: {  	v31 =	vld.idx.msk [tilespmem:v56+s5+$0x0], $0xffff;
	[tilespmem:s2+$0x0] =	vst v29  }
0x270: {  	v57 =	vor.u32 $0x48, v2;
	v28 =	vld.idx.msk [tilespmem:v28+s5+$0x0], $0xffff;
	_ =	sdelay $0x1  }
0x271: {  	s13 =	sadd.s32 $0x11100, s23  }
0x272: {  	[tilespmem:s1+$0x0] =	vst v40;
	v58 =	vor.u32 $0x50, v1;
	s15 =	sor.u32 s28, s13  }
0x273: {  	v25 =	vld.idx.msk [tilespmem:v25+s5+$0x0], $0xffff;
	s2 =	sor.u32 s25, s13;
	[tilespmem:s15+$0x0] =	vst v31  }
0x274: {  	s16 =	sadd.s32 $0x11180, s17;
	v29 =	vld.idx.msk [tilespmem:v57+s5+$0x0], $0xffff;
	[tilespmem:s2+$0x0] =	vst v28  }
0x275: {  	v59 =	vor.u32 $0x50, v2;
	s30 =	sor.u32 s21, s16;
	v60 =	vld.idx.msk [tilespmem:v35+s5+$0x0], $0xffff  }
0x276: {  	[tilespmem:s30+$0x0] =	vst v41  }
0x277: {  	s1 =	sor.u32 s19, s16;
	s31 =	sadd.s32 $0x11180, s23;
	v32 =	vld.idx.msk [tilespmem:v58+s5+$0x0], $0xffff  }
0x278: {  	v61 =	vor.u32 $0x58, v1;
	[tilespmem:s1+$0x0] =	vst v25;
	s3 =	sor.u32 s28, s31  }
0x279: {  	v23 =	vld.idx.msk [tilespmem:v23+s5+$0x0], $0xffff;
	s7 =	sor.u32 s25, s31;
	[tilespmem:s3+$0x0] =	vst v29  }
0x27a: {  	s12 =	sadd.s32 $0x11200, s17;
	v28 =	vld.idx.msk [tilespmem:v59+s5+$0x0], $0xffff;
	[tilespmem:s7+$0x0] =	vst v60  }
0x27b: {  	v62 =	vor.u32 $0x58, v2;
	s13 =	sor.u32 s21, s12;
	v31 =	vld.idx.msk [tilespmem:v33+s5+$0x0], $0xffff  }
0x27c: {  	[tilespmem:s13+$0x0] =	vst v32  }
0x27d: {  	s1 =	sor.u32 s19, s12;
	s15 =	sadd.s32 $0x11200, s23;
	v25 =	vld.idx.msk [tilespmem:v61+s5+$0x0], $0xffff  }
0x27e: {  	v63 =	vor.u32 $0x60, v1;
	[tilespmem:s1+$0x0] =	vst v23;
	s16 =	sor.u32 s28, s15  }
0x27f: {  	v21 =	vld.idx.msk [tilespmem:v21+s5+$0x0], $0xffff;
	s2 =	sor.u32 s25, s15;
	[tilespmem:s16+$0x0] =	vst v28  }
0x280: {  	s30 =	sadd.s32 $0x11280, s17;
	v28 =	vld.idx.msk [tilespmem:v62+s5+$0x0], $0xffff;
	[tilespmem:s2+$0x0] =	vst v31  }
0x281: {  	s31 =	sor.u32 s21, s30;
	v32 =	vor.u32 $0x60, v2;
	v27 =	vld.idx.msk [tilespmem:v27+s5+$0x0], $0xffff  }
0x282: {  	[tilespmem:s31+$0x0] =	vst v25  }
0x283: {  	s1 =	sor.u32 s19, s30;
	s3 =	sadd.s32 $0x11280, s23;
	v23 =	vld.idx.msk [tilespmem:v63+s5+$0x0], $0xffff  }
0x284: {  	[tilespmem:s1+$0x0] =	vst v21;
	s7 =	sor.u32 s28, s3;
	v33 =	vor.u32 $0x68, v1  }
0x285: {  	v19 =	vld.idx.msk [tilespmem:v19+s5+$0x0], $0xffff;
	s2 =	sor.u32 s25, s3;
	[tilespmem:s7+$0x0] =	vst v28  }
0x286: {  	s12 =	sadd.s32 $0x11300, s17;
	v34 =	vld.idx.msk [tilespmem:v32+s5+$0x0], $0xffff;
	[tilespmem:s2+$0x0] =	vst v27  }
0x287: {  	s13 =	sor.u32 s21, s12;
	v35 =	vor.u32 $0x68, v2;
	v26 =	vld.idx.msk [tilespmem:v26+s5+$0x0], $0xffff  }
0x288: {  	[tilespmem:s13+$0x0] =	vst v23  }
0x289: {  	s1 =	sor.u32 s19, s12;
	s15 =	sadd.s32 $0x11300, s23;
	v21 =	vld.idx.msk [tilespmem:v33+s5+$0x0], $0xffff  }
0x28a: {  	v36 =	vor.u32 $0x70, v1;
	[tilespmem:s1+$0x0] =	vst v19;
	s16 =	sor.u32 s28, s15  }
0x28b: {  	v18 =	vld.idx.msk [tilespmem:v18+s5+$0x0], $0xffff;
	s2 =	sor.u32 s25, s15;
	[tilespmem:s16+$0x0] =	vst v34  }
0x28c: {  	s30 =	sadd.s32 $0x11380, s17;
	v40 =	vld.idx.msk [tilespmem:v35+s5+$0x0], $0xffff;
	[tilespmem:s2+$0x0] =	vst v26  }
0x28d: {  	v41 =	vor.u32 $0x70, v2;
	s31 =	sor.u32 s21, s30;
	v22 =	vld.idx.msk [tilespmem:v22+s5+$0x0], $0xffff  }
0x28e: {  	[tilespmem:s31+$0x0] =	vst v21  }
0x28f: {  	[tilespmem:s9+$0x0] =	vst v38;
	s1 =	sor.u32 s19, s30;
	s3 =	sadd.s32 $0x11380, s23;
	v19 =	vld.idx.msk [tilespmem:v36+s5+$0x0], $0xffff  }
0x290: {  	v44 =	vor.u32 $0x78, v1;
	v42 =	vld.idx.msk [tilespmem:v39+s5+$0x0], $0xffff;
	[tilespmem:s1+$0x0] =	vst v18;
	s7 =	sor.u32 s28, s3  }
0x291: {  	v43 =	vor.u32 $0x80, v0;
	v17 =	vld.idx.msk [tilespmem:v17+s5+$0x0], $0xffff;
	s2 =	sor.u32 s25, s3;
	[tilespmem:s7+$0x0] =	vst v40  }
0x292: {  	s13 =	sadd.s32 $0x11400, s17;
	v23 =	vld.idx.msk [tilespmem:v41+s5+$0x0], $0xffff;
	[tilespmem:s2+$0x0] =	vst v22  }
0x293: {  	v45 =	vor.u32 $0x78, v2;
	s9 =	sadd.s32 $0x11480, s6;
	[tilespmem:s11+$0x0] =	vst v37;
	s15 =	sor.u32 s21, s13;
	v20 =	vld.idx.msk [tilespmem:v20+s5+$0x0], $0xffff  }
0x294: {  	v12 =	vld.idx.msk [tilespmem:v12+s5+$0x0], $0xffff;
	s12 =	sor.u32 s8, s9;
	[tilespmem:s15+$0x0] =	vst v19  }
0x295: {  	[tilespmem:s12+$0x0] =	vst v42;
	s16 =	sadd.s32 $0x11400, s23;
	s3 =	sor.u32 s19, s13;
	v18 =	vld.idx.msk [tilespmem:v44+s5+$0x0], $0xffff  }
0x296: {  	v21 =	vld.idx.msk [tilespmem:v43+s5+$0x0], $0xffff;
	s30 =	sor.u32 s28, s16;
	[tilespmem:s3+$0x0] =	vst v17  }
0x297: {  	v47 =	vor.u32 $0x80, v1;
	v15 =	vld.idx.msk [tilespmem:v15+s5+$0x0], $0xffff;
	s2 =	sor.u32 s25, s16;
	[tilespmem:s30+$0x0] =	vst v23  }
0x298: {  	s1 =	sor.u32 s10, s9;
	s7 =	sadd.s32 $0x11480, s17;
	v22 =	vld.idx.msk [tilespmem:v45+s5+$0x0], $0xffff;
	[tilespmem:s2+$0x0] =	vst v20  }
0x299: {  	v48 =	vor.u32 $0x80, v2;
	[tilespmem:s1+$0x0] =	vst v12;
	s31 =	sadd.s32 $0x15100, s6;
	s9 =	sor.u32 s21, s7;
	v20 =	vld.idx.msk [tilespmem:v30+s5+$0x0], $0xffff  }
0x29a: {  	v9 =	vld.idx.msk [tilespmem:v9+s5+$0x0], $0xffff;
	[tilespmem:s9+$0x0] =	vst v18;
	s2 =	sor.u32 s8, s31  }
0x29b: {  	s11 =	sadd.s32 $0x11480, s23;
	v6 =	vld.idx.msk [tilespmem:v6+s5+$0x0], $0xffff;
	[tilespmem:s2+$0x0] =	vst v21;
	s2 =	sor.u32 s19, s7  }
0x29c: {  	v46 =	vor.u32 $0x88, v0;
	s12 =	sor.u32 s28, s11;
	v17 =	vld.idx.msk [tilespmem:v47+s5+$0x0], $0xffff;
	[tilespmem:s2+$0x0] =	vst v15  }
0x29d: {  	v49 =	vor.u32 $0x88, v1;
	s1 =	sor.u32 s25, s11;
	v13 =	vld.idx.msk [tilespmem:v13+s5+$0x0], $0xffff;
	[tilespmem:s12+$0x0] =	vst v22  }
0x29e: {  	s13 =	sor.u32 s10, s31;
	v12 =	vld.idx.msk [tilespmem:v48+s5+$0x0], $0xffff;
	[tilespmem:s1+$0x0] =	vst v20  }
0x29f: {  	v50 =	vor.u32 $0x88, v2;
	[tilespmem:s13+$0x0] =	vst v9;
	s30 =	sadd.s32 $0x15100, s17;
	v51 =	vld.idx.msk [tilespmem:v24+s5+$0x0], $0xffff  }
0x2a0: {  	[tilespmem:s0+$0x0] =	vst v6;
	v7 =	vld.idx.msk [tilespmem:v7+s5+$0x0], $0xffff;
	s31 =	sor.u32 s21, s30  }
0x2a1: {  	[tilespmem:s31+$0x0] =	vst v17;
	s7 =	sadd.s32 $0x15100, s23;
	v19 =	vld.idx.msk [tilespmem:v46+s5+$0x0], $0xffff;
	s2 =	sor.u32 s19, s30  }
0x2a2: {  	v52 =	vor.u32 $0x90, v0;
	v15 =	vld.idx.msk [tilespmem:v49+s5+$0x0], $0xffff;
	s9 =	sor.u32 s28, s7;
	[tilespmem:s2+$0x0] =	vst v13  }
0x2a3: {  	v53 =	vor.u32 $0x90, v1;
	s15 =	sadd.s32 $0x15180, s6;
	s1 =	sor.u32 s25, s7;
	v10 =	vld.idx.msk [tilespmem:v10+s5+$0x0], $0xffff;
	[tilespmem:s9+$0x0] =	vst v12  }
0x2a4: {  	s11 =	sor.u32 s10, s15;
	v9 =	vld.idx.msk [tilespmem:v50+s5+$0x0], $0xffff;
	[tilespmem:s1+$0x0] =	vst v51  }
0x2a5: {  	v54 =	vor.u32 $0x90, v2;
	s16 =	sor.u32 s8, s15;
	[tilespmem:s11+$0x0] =	vst v7;
	s12 =	sadd.s32 $0x15180, s17;
	v55 =	vld.idx.msk [tilespmem:v14+s5+$0x0], $0xffff  }
0x2a6: {  	v4 =	vld.idx.msk [tilespmem:v4+s5+$0x0], $0xffff;
	s13 =	sor.u32 s21, s12;
	[tilespmem:s16+$0x0] =	vst v19  }
0x2a7: {  	s15 =	sadd.s32 $0x15180, s23;
	s0 =	sor.u32 s19, s12;
	[tilespmem:s13+$0x0] =	vst v15;
	v56 =	vld.idx.msk [tilespmem:v52+s5+$0x0], $0xffff  }
0x2a8: {  	v57 =	vor.u32 $0x98, v0;
	s16 =	sor.u32 s28, s15;
	v58 =	vld.idx.msk [tilespmem:v53+s5+$0x0], $0xffff;
	[tilespmem:s0+$0x0] =	vst v10  }
0x2a9: {  	v59 =	vor.u32 $0x98, v1;
	s30 =	sadd.s32 $0x15200, s6;
	s1 =	sor.u32 s25, s15;
	v8 =	vld.idx.msk [tilespmem:v8+s5+$0x0], $0xffff;
	[tilespmem:s16+$0x0] =	vst v9  }
0x2aa: {  	s3 =	sor.u32 s10, s30;
	v6 =	vld.idx.msk [tilespmem:v54+s5+$0x0], $0xffff;
	[tilespmem:s1+$0x0] =	vst v55  }
0x2ab: {  	v60 =	vor.u32 $0x98, v2;
	s31 =	sor.u32 s8, s30;
	[tilespmem:s3+$0x0] =	vst v4;
	s7 =	sadd.s32 $0x15200, s17;
	v61 =	vld.idx.msk [tilespmem:v11+s5+$0x0], $0xffff  }
0x2ac: {  	v3 =	vld.idx.msk [tilespmem:v3+s5+$0x0], $0xffff;
	s9 =	sor.u32 s21, s7;
	[tilespmem:s31+$0x0] =	vst v56  }
0x2ad: {  	s11 =	sadd.s32 $0x15200, s23;
	[tilespmem:s9+$0x0] =	vst v58;
	v0 =	vld.idx.msk [tilespmem:v57+s5+$0x0], $0xffff;
	s0 =	sor.u32 s19, s7  }
0x2ae: {  	s12 =	sor.u32 s28, s11;
	v1 =	vld.idx.msk [tilespmem:v59+s5+$0x0], $0xffff;
	[tilespmem:s0+$0x0] =	vst v8  }
0x2af: {  	s13 =	sadd.s32 $0x15280, s6;
	s1 =	sor.u32 s25, s11;
	v62 =	vld.idx.msk [tilespmem:v5+s5+$0x0], $0xffff;
	[tilespmem:s12+$0x0] =	vst v6  }
0x2b0: {  	s16 =	sor.u32 s10, s13;
	v2 =	vld.idx.msk [tilespmem:v60+s5+$0x0], $0xffff;
	[tilespmem:s1+$0x0] =	vst v61  }
0x2b1: {  	s17 =	sadd.s32 $0x15280, s17;
	s15 =	sor.u32 s8, s13;
	[tilespmem:s16+$0x0] =	vst v3;
	v63 =	vld.idx.msk [tilespmem:v16+s5+$0x0], $0xffff  }
0x2b2: {  	s21 =	sor.u32 s21, s17;
	[tilespmem:s15+$0x0] =	vst v0  }
.Ltmp4:
0x2b3: {  	s23 =	sadd.s32 $0x15280, s23;
	[tilespmem:s21+$0x0] =	vst v1;
	s0 =	sor.u32 s19, s17;
	(pc) =	sbr.rel @p0 .LBB2_8-.Ltmp4, $4  }
0x2b4: {  	s28 =	sor.u32 s28, s23;
	[tilespmem:s0+$0x0] =	vst v62  }
0x2b5: {  	s1 =	sor.u32 s25, s23;
	[tilespmem:s28+$0x0] =	vst v2  }
0x2b6: {  	s30 =	sadd.s32 s18, s29;
	s31 =	simm.s32 $0xD100;
	[tilespmem:s1+$0x0] =	vst v63  }
0x2b7: {  	[hbm4b:s30+s20] =	stream.strided.scatter [tilespmem:s31], [sflag:$0x4], $0xC000, s24, s20, $0x38;
	[tilespmem:$0x19100] =	vst v63  }
0x2b8: {  	s0 =	sshrl.u32 s29, $0x3;
	s1 =	rddreg [dreg:$0x0]  }
0x2b9: {  	s0 =	sadd.s32 s1, s0  }
0x2ba: {  	s2 =	simm.s32 $0x180;
	s1 =	sadd.s32 $0x200, s0  }
0x2bb: {  	[tilespmem:s2], [sflag:$0x2] =	stream.linear.gather [hbm4b:s1+s5], $0x80, $0x38;
	[tilespmem:$0x19100] =	vst v63  }
0x2bc: {  	s25 =	simm.s32 $0x280;
	s24 =	sadd.s32 $0x210, s0  }
0x2bd: {  	[tilespmem:s25], [sflag:$0x2] =	stream.linear.gather [hbm4b:s24+s5], $0x80, $0x38;
	[tilespmem:$0x19100] =	vst v63  }
0x2be: {  	s29 =	simm.s32 $0x380;
	s28 =	sadd.s32 $0x220, s0  }
0x2bf: {  	[tilespmem:s29], [sflag:$0x2] =	stream.linear.gather [hbm4b:s28+s5], $0x80, $0x38;
	[tilespmem:$0x19100] =	vst v63  }
0x2c0: {  	s31 =	simm.s32 $0x480;
	s30 =	sadd.s32 $0x230, s0  }
0x2c1: {  	[tilespmem:s31], [sflag:$0x2] =	stream.linear.gather [hbm4b:s30+s5], $0x80, $0x38;
	[tilespmem:$0x19100] =	vst v63  }
0x2c2: {  	s6 =	simm.s32 $0x580;
	s3 =	sadd.s32 $0x240, s0  }
0x2c3: {  	[tilespmem:s6], [sflag:$0x2] =	stream.linear.gather [hbm4b:s3+s5], $0x80, $0x38;
	[tilespmem:$0x19100] =	vst v63  }
0x2c4: {  	s8 =	simm.s32 $0x680;
	s7 =	sadd.s32 $0x250, s0  }
0x2c5: {  	[tilespmem:s8], [sflag:$0x2] =	stream.linear.gather [hbm4b:s7+s5], $0x80, $0x38;
	[tilespmem:$0x19100] =	vst v63  }
0x2c6: {  	s10 =	simm.s32 $0x780;
	s9 =	sadd.s32 $0x260, s0  }
0x2c7: {  	[tilespmem:s10], [sflag:$0x2] =	stream.linear.gather [hbm4b:s9+s5], $0x80, $0x38;
	[tilespmem:$0x19100] =	vst v63  }
0x2c8: {  	s12 =	simm.s32 $0x880;
	s11 =	sadd.s32 $0x270, s0  }
0x2c9: {  	[tilespmem:s12], [sflag:$0x2] =	stream.linear.gather [hbm4b:s11+s5], $0x80, $0x38;
	[tilespmem:$0x19100] =	vst v63  }
0x2ca: {  	s15 =	simm.s32 $0x980;
	s13 =	sadd.s32 $0x280, s0  }
0x2cb: {  	[tilespmem:s15], [sflag:$0x2] =	stream.linear.gather [hbm4b:s13+s5], $0x80, $0x38;
	[tilespmem:$0x19100] =	vst v63  }
0x2cc: {  	s17 =	simm.s32 $0xA80;
	s16 =	sadd.s32 $0x290, s0  }
0x2cd: {  	[tilespmem:s17], [sflag:$0x2] =	stream.linear.gather [hbm4b:s16+s5], $0x80, $0x38;
	[tilespmem:$0x19100] =	vst v63  }
0x2ce: {  	s19 =	simm.s32 $0xB80;
	s18 =	sadd.s32 $0x2A0, s0  }
0x2cf: {  	[tilespmem:s19], [sflag:$0x2] =	stream.linear.gather [hbm4b:s18+s5], $0x80, $0x38;
	[tilespmem:$0x19100] =	vst v63  }
0x2d0: {  	s21 =	simm.s32 $0xC80;
	s20 =	sadd.s32 $0x2B0, s0  }
0x2d1: {  	[tilespmem:s21], [sflag:$0x2] =	stream.linear.gather [hbm4b:s20+s5], $0x80, $0x38;
	[tilespmem:$0x19100] =	vst v63  }
0x2d2: {  	s23 =	sadd.s32 $0x2C0, s0;
	s24 =	simm.s32 $0xD80  }
0x2d3: {  	[tilespmem:s24], [sflag:$0x2] =	stream.linear.gather [hbm4b:s23+s5], $0x80, $0x38;
	[tilespmem:$0x19100] =	vst v63  }
0x2d4: {  	s25 =	sadd.s32 $0x2D0, s0;
	s28 =	simm.s32 $0xE80  }
0x2d5: {  	[tilespmem:s28], [sflag:$0x2] =	stream.linear.gather [hbm4b:s25+s5], $0x80, $0x38;
	[tilespmem:$0x19100] =	vst v63  }
.Ltmp5:
0x2d6: {  	_ = 	snop;
	(pc) =	sbr.rel .LBB2_2-.Ltmp5, $4  }
0x2d7: {  	s29 =	sadd.s32 $0x2E0, s0;
	s30 =	simm.s32 $0xF80  }
0x2d8: {  	[tilespmem:s30], [sflag:$0x2] =	stream.linear.gather [hbm4b:s29+s5], $0x80, $0x38;
	[tilespmem:$0x19100] =	vst v63  }
0x2d9: {  	s26 =	sadd.s32 $0x1, s26;
	s0 =	sadd.s32 $0x2F0, s0;
	s31 =	simm.s32 $0x1080  }
0x2da: {  	[tilespmem:s31], [sflag:$0x2] =	stream.linear.gather [hbm4b:s0+s5], $0x80, $0x38;
	[tilespmem:$0x19100] =	vst v63  }
.LBB2_9:
0x2db: {  	_ =	sfence.sel $0x180000  }
0x2dc: {  	[bflag:$0x0] =	sbarrier.arrive $0xFFFF  }
0x2dd: {  	_ =	strace $0x90000047  }
0x2de: {  	s0 =	stileid.u32;
	[bflag:$0x2] =	sbarrier.arrive $0xFFFF  }
0x2df: {  	p0 =	sne.s32 s0, $0x0;
	s0 =	rddreg [dreg:$0x3]  }
0x2e0: {  	s0 =	sadd.s32 @!p0 $0x100000, s0  }
0x2e1: {  	[sflag:s0] =	ssyncadd.tile.s32 @!p0 $0x1;
	_ =	shalt  }
.Lfunc_end2:
_tile_overlayer_lowered:
.L_overlay_start_2:
0x2e2: {  	(tag) =	ssettag $0x2  }
0x2e3: {  	s0 =	rddreg [dreg:$0x0];
	s2 =	stileid.u32  }
0x2e4: {  	s1 =	rddreg [dreg:$0x1];
	p0 =	sne.s32 s2, $0x0  }
0x2e5: {  	s3 =	rddreg [dreg:$0x2];
	[bflag:$0x3] =	sbarrier.arrive $0xFFFF;
	s2 =	simm.s32 @!p0 $0x1C05  }
0x2e6: {  	[timem:s3], [sflag:s2] =	dma.local @!p0 [hbm:s0], s1  }
0x2e7: {  	s0 =	simm.s32 @!p0 $0x5  }
0x2e8: {  	_ =	swait.ge @!p0 [sflag:s0], s1  }
0x2e9: {  	s1 =	ssub.s32 @!p0 $0x0, s1;
	[sflag:s0] =	ssyncset.done @!p0 $0x0  }
0x2ea: {  	[sflag:s0] =	ssyncadd.s32 @!p0 s1  }
0x2eb: {  	[bflag:$0x3] =	sbarrier.arrive $0xFFFF  }
0x2ec: {  	_ =	shalt  }

</sc_bundles>
